<compile_context>
chip_gen: v7x
topology: tpu7x:2x2x1
jax: 0.10.2.dev20260603
libtpu: 0.0.44.dev20260713+nightly
codegen_flags: <defaults>
</compile_context>

<pallas_src>
import functools

import jax
import jax.numpy as jnp
from jax import lax
from jax.experimental import pallas as pl
from jax.experimental.pallas import tpu as pltpu
from jax.experimental.pallas import tpu_sc as plsc

_N = 10000
_F = 128
_E = 320000
_CHUNK = 128
_NCHUNK = _E // _CHUNK
_TILES = 16
_ROWS_MAIN = 624
_ZROWS = 104


def _seg_body(x_hbm, dst_hbm, src_hbm, out_hbm, dst_v0, src_v0, dst_v1, src_v1,
              ov0, ov1, rows0, rows1, zbuf, acc, gsem0, gsem1, isem0, isem1,
              ssem0, ssem1):
    c = lax.axis_index("c")
    s = lax.axis_index("s")

    row0 = s * _ROWS_MAIN + 8 * jnp.minimum(s, 2)

    zv = jnp.zeros((16,), jnp.float32)

    def zstore(i, carry):
        zbuf[i // 8, pl.ds((i % 8) * 16, 16)] = zv
        return carry

    lax.fori_loop(0, _ZROWS * 8, zstore, 0)

    def zcopy(k, carry):
        pltpu.sync_copy(zbuf, acc.at[pl.ds(row0 + k * _ZROWS, _ZROWS)])
        return carry

    lax.fori_loop(0, _ROWS_MAIN // _ZROWS, zcopy, 0)

    @pl.when(s < 2)
    def _():
        pltpu.sync_copy(zbuf.at[pl.ds(0, 8)], acc.at[pl.ds(row0 + _ROWS_MAIN, 8)])

    plsc.subcore_barrier()

    def issue_idx(k, dv, sv, isem):
        base = c * _E + k * _CHUNK
        pltpu.async_copy(dst_hbm.at[pl.ds(base, _CHUNK)], dv, isem)
        pltpu.async_copy(src_hbm.at[pl.ds(base, _CHUNK)], sv, isem)

    def wait_idx(dv, sv, isem):
        pltpu.make_async_copy(dst_hbm.at[pl.ds(0, _CHUNK)], dv, isem).wait()
        pltpu.make_async_copy(src_hbm.at[pl.ds(0, _CHUNK)], sv, isem).wait()

    issue_idx(s, dst_v0, src_v0, isem0)
    issue_idx(_TILES + s, dst_v1, src_v1, isem1)
    wait_idx(dst_v0, src_v0, isem0)
    pltpu.async_copy(x_hbm.at[src_v0], rows0, gsem0)

    bufs = ((dst_v0, src_v0, ov0, rows0, gsem0, isem0, ssem0),
            (dst_v1, src_v1, ov1, rows1, gsem1, isem1, ssem1))

    def do_chunk(g, p):
        dv, sv, ov, rws, gsem, isem, ssem = bufs[p]
        dvq, svq, ovq, rwsq, gsemq, isemq, ssemq = bufs[1 - p]
        k = g * _TILES + s

        @pl.when((k >= _TILES) & (k - _TILES < _NCHUNK))
        def _():
            pltpu.make_async_copy(rwsq, acc.at[ovq], ssemq).wait()

        @pl.when(k + _TILES < _NCHUNK)
        def _():
            wait_idx(dvq, svq, isemq)
            pltpu.async_copy(x_hbm.at[svq], rwsq, gsemq)

        @pl.when(k < _NCHUNK)
        def _():
            pltpu.make_async_copy(x_hbm.at[sv], rws, gsem).wait()
            for t in range(_CHUNK // 16):
                ov[pl.ds(t * 16, 16)] = dv[pl.ds(t * 16, 16)]
            pltpu.async_copy(rws, acc.at[ov], ssem, add=True)

            @pl.when(k + 2 * _TILES < _NCHUNK)
            def _():
                issue_idx(k + 2 * _TILES, dv, sv, isem)

    def pair_body(gg, carry):
        do_chunk(gg * 2, 0)
        do_chunk(gg * 2 + 1, 1)
        return carry

    npair = ((_NCHUNK + _TILES - 1) // _TILES + 1) // 2
    lax.fori_loop(0, npair, pair_body, 0)
    last_k = (2 * npair - 1) * _TILES + s

    @pl.when(last_k < _NCHUNK)
    def _():
        pltpu.make_async_copy(rows1, acc.at[ov1], ssem1).wait()

    plsc.subcore_barrier()

    pltpu.sync_copy(acc.at[pl.ds(row0, _ROWS_MAIN)],
                    out_hbm.at[c, pl.ds(row0, _ROWS_MAIN)])

    @pl.when(s < 2)
    def _():
        pltpu.sync_copy(acc.at[pl.ds(row0 + _ROWS_MAIN, 8)],
                        out_hbm.at[c, pl.ds(row0 + _ROWS_MAIN, 8)])


def _make_seg():
    mesh = plsc.VectorSubcoreMesh(core_axis_name="c", subcore_axis_name="s")
    return pl.kernel(
        _seg_body,
        out_type=jax.ShapeDtypeStruct((2, _N, _F), jnp.float32),
        mesh=mesh,
        scratch_types=[
            pltpu.VMEM((_CHUNK,), jnp.int32),
            pltpu.VMEM((_CHUNK,), jnp.int32),
            pltpu.VMEM((_CHUNK,), jnp.int32),
            pltpu.VMEM((_CHUNK,), jnp.int32),
            pltpu.VMEM((_CHUNK,), jnp.int32),
            pltpu.VMEM((_CHUNK,), jnp.int32),
            pltpu.VMEM((_CHUNK, _F), jnp.float32),
            pltpu.VMEM((_CHUNK, _F), jnp.float32),
            pltpu.VMEM((_ZROWS, _F), jnp.float32),
            pltpu.VMEM_SHARED((_N, _F), jnp.float32),
            pltpu.SemaphoreType.DMA,
            pltpu.SemaphoreType.DMA,
            pltpu.SemaphoreType.DMA,
            pltpu.SemaphoreType.DMA,
            pltpu.SemaphoreType.DMA,
            pltpu.SemaphoreType.DMA,
        ],
        name="segment_sums_sc",
    )


def _dense_body(x_ref, nsum_ref, psum_ref, wn_ref, wp_ref, b_ref, g_ref,
                beta_ref, gk_ref, grk_ref, gb_ref, o_ref):
    x = x_ref[...]
    aggre = jnp.dot(nsum_ref[...], wn_ref[...], preferred_element_type=jnp.float32)
    aggre = aggre + jnp.dot(psum_ref[...], wp_ref[...], preferred_element_type=jnp.float32)
    aggre = aggre + b_ref[...] + x
    a = jnp.maximum(aggre, 0.0)
    mean = jnp.mean(a, axis=0, keepdims=True)
    var = jnp.mean((a - mean) * (a - mean), axis=0, keepdims=True)
    a = (a - mean) / jnp.sqrt(var + 1e-3) * g_ref[...] + beta_ref[...]
    mx = jnp.dot(a, gk_ref[...], preferred_element_type=jnp.float32) + gb_ref[0:1, :]
    mi = jnp.dot(x, grk_ref[...], preferred_element_type=jnp.float32) + gb_ref[1:2, :]
    z = jax.nn.sigmoid(mx[:, :_F] + mi[:, :_F])
    r = jax.nn.sigmoid(mx[:, _F:2 * _F] + mi[:, _F:2 * _F])
    h = jnp.tanh(mx[:, 2 * _F:] + r * mi[:, 2 * _F:])
    o_ref[...] = z * x + (1.0 - z) * h


def _make_dense(interpret=False):
    return pl.pallas_call(
        _dense_body,
        out_shape=jax.ShapeDtypeStruct((_N, _F), jnp.float32),
        interpret=interpret,
        name="dense_tail_tc",
    )


@functools.cache
def _get_seg():
    return _make_seg()


@functools.cache
def _get_dense():
    return _make_dense()


def kernel(x, pairs_prev, pairs_next, w_next, w_prev, b, bn_gamma, bn_beta,
           gru_kernel, gru_rec_kernel, gru_bias):
    dst = jnp.concatenate([pairs_prev[:, 0], pairs_next[:, 0]])
    src = jnp.concatenate([pairs_prev[:, 1], pairs_next[:, 1]])
    sums = _get_seg()(x, dst, src)
    prev_sumx = sums[0]
    next_sumx = sums[1]
    return _get_dense()(x, next_sumx, prev_sumx, w_next, w_prev, b,
                  bn_gamma.reshape(1, _F), bn_beta.reshape(1, _F),
                  gru_kernel, gru_rec_kernel, gru_bias)

# --- scband reference (transcript-rebuilt; emitter-appended) ---
"""Pipeline reference for scband-message-passing-conv-14078902796825 (READ-ONLY COPY).

The authoritative reference and input builder live on the scoring server;
editing this copy changes nothing except your own understanding.
"""

import jax, jax.numpy as jnp
import numpy as np

FILTERS = 128
N_NODES = 10000
N_EDGES = 320000


def setup_inputs(seed: int = 0) -> dict:
    key = jax.random.key(seed)
    ks = jax.random.split(key, 10)
    x = jax.random.normal(ks[0], (N_NODES, FILTERS), dtype=jnp.float32)
    pairs_prev = jax.random.randint(ks[1], (N_EDGES, 2), 0, N_NODES, dtype=jnp.int32)
    pairs_next = jax.random.randint(ks[2], (N_EDGES, 2), 0, N_NODES, dtype=jnp.int32)
    # MessagePassingConv parameters (w_next/w_prev use nn.init.normal_, std=1)
    w_next = jax.random.normal(ks[3], (FILTERS, FILTERS), dtype=jnp.float32)
    w_prev = jax.random.normal(ks[4], (FILTERS, FILTERS), dtype=jnp.float32)
    b = jnp.zeros((1, FILTERS), dtype=jnp.float32)
    # BatchNorm1d affine params (default init: gamma=1, beta=0)
    bn_gamma = jnp.ones((FILTERS,), dtype=jnp.float32)
    bn_beta = jnp.zeros((FILTERS,), dtype=jnp.float32)
    # KerasGRUCell parameters
    gru_kernel = jax.random.normal(ks[5], (FILTERS, 3 * FILTERS), dtype=jnp.float32) * 0.05
    gru_rec_kernel = jax.random.normal(ks[6], (FILTERS, 3 * FILTERS), dtype=jnp.float32) * 0.05
    gru_bias = jnp.zeros((2, 3 * FILTERS), dtype=jnp.float32)
    return {
        "x": x,
        "pairs_prev": pairs_prev,
        "pairs_next": pairs_next,
        "w_next": w_next,
        "w_prev": w_prev,
        "b": b,
        "bn_gamma": bn_gamma,
        "bn_beta": bn_beta,
        "gru_kernel": gru_kernel,
        "gru_rec_kernel": gru_rec_kernel,
        "gru_bias": gru_bias,
    }


def reference(x, pairs_prev, pairs_next, w_next, w_prev, b, bn_gamma, bn_beta, gru_kernel, gru_rec_kernel, gru_bias):
    num_nodes = x.shape[0]
    hidden = FILTERS
    # gather + segment-sum message passing
    prev_x = jnp.take(x, pairs_prev[:, 1], axis=0)
    prev_sumx = jax.ops.segment_sum(prev_x, pairs_prev[:, 0], num_segments=num_nodes)
    next_x = jnp.take(x, pairs_next[:, 1], axis=0)
    next_sumx = jax.ops.segment_sum(next_x, pairs_next[:, 0], num_segments=num_nodes)
    aggre = next_sumx @ w_next + prev_sumx @ w_prev + b
    # multiply is None -> residual add
    aggre = aggre + x
    # BatchNorm1d (training mode: batch statistics, biased variance, eps=1e-3) after ReLU
    a = jax.nn.relu(aggre)
    mean = jnp.mean(a, axis=0)
    var = jnp.var(a, axis=0)
    a = (a - mean) / jnp.sqrt(var + 1e-3) * bn_gamma + bn_beta
    # KerasGRUCell(aggre, x): input = normalized aggre, hidden state h = x
    matrix_x = a @ gru_kernel + gru_bias[0]
    x_z = matrix_x[:, :hidden]
    x_r = matrix_x[:, hidden:2 * hidden]
    x_h = matrix_x[:, 2 * hidden:]
    matrix_inner = x @ gru_rec_kernel + gru_bias[1]
    rec_z = matrix_inner[:, :hidden]
    rec_r = matrix_inner[:, hidden:2 * hidden]
    rec_h = matrix_inner[:, 2 * hidden:]
    z = jax.nn.sigmoid(x_z + rec_z)
    r = jax.nn.sigmoid(x_r + rec_r)
    h_candidate = jnp.tanh(x_h + r * rec_h)
    return z * x + (1.0 - z) * h_candidate

if __name__ == "__main__":
    import jax
    _d = setup_inputs()
    print(jax.jit(kernel)(*tuple(_d.values())))

</pallas_src>

<mosaic_0001>
#map = affine_map<(d0, d1) -> (0, 0)>
#map1 = affine_map<(d0, d1) -> (0)>
#map2 = affine_map<(d0, d1) -> (0, 0, 0)>
module attributes {stable_mosaic.version = 14 : i64} {
  func.func @segment_sums_sc(%arg0: i32, %arg1: i32, %arg2: memref<10000x128xf32, #tpu.memory_space<hbm>>, %arg3: memref<640000xi32, #tpu.memory_space<hbm>>, %arg4: memref<640000xi32, #tpu.memory_space<hbm>>, %arg5: memref<2x10000x128xf32, #tpu.memory_space<hbm>>, %arg6: memref<128xi32, #tpu.memory_space<vmem>>, %arg7: memref<128xi32, #tpu.memory_space<vmem>>, %arg8: memref<128xi32, #tpu.memory_space<vmem>>, %arg9: memref<128xi32, #tpu.memory_space<vmem>>, %arg10: memref<128xi32, #tpu.memory_space<vmem>>, %arg11: memref<128xi32, #tpu.memory_space<vmem>>, %arg12: memref<128x128xf32, #tpu.memory_space<vmem>>, %arg13: memref<128x128xf32, #tpu.memory_space<vmem>>, %arg14: memref<104x128xf32, #tpu.memory_space<vmem>>, %arg15: memref<10000x128xf32, #tpu.memory_space<vmem_shared>>, %arg16: memref<!tpu.dma_semaphore, #tpu.memory_space<semaphore_mem>>, %arg17: memref<!tpu.dma_semaphore, #tpu.memory_space<semaphore_mem>>, %arg18: memref<!tpu.dma_semaphore, #tpu.memory_space<semaphore_mem>>, %arg19: memref<!tpu.dma_semaphore, #tpu.memory_space<semaphore_mem>>, %arg20: memref<!tpu.dma_semaphore, #tpu.memory_space<semaphore_mem>>, %arg21: memref<!tpu.dma_semaphore, #tpu.memory_space<semaphore_mem>>) attributes {dimension_semantics = [#tpu.dimension_semantics<core_parallel>, #tpu.dimension_semantics<subcore_parallel>], iteration_bounds = array<i64: 2, 16>, scalar_prefetch = 0 : i64, scratch_operands = 16 : i64, tpu.core_type = #tpu.core_type<sc_vector_subcore>, window_params = [{transform_indices = #map}, {transform_indices = #map1}, {transform_indices = #map1}, {transform_indices = #map2}]} {
    %mul3A = arith.constant 624 : i32
    %mul3A_0 = arith.muli %arg1, %mul3A : i32
    %min3A = arith.constant 2 : i32
    %min3A_1 = arith.minsi %arg1, %min3A : i32
    %mul3A_2 = arith.constant 8 : i32
    %mul3A_3 = arith.muli %mul3A_2, %min3A_1 : i32
    %add3A = arith.addi %mul3A_0, %mul3A_3 : i32
    %broadcast_in_dim3A = arith.constant 0.000000e+00 : f32
    %broadcast_in_dim3A_4 = vector.broadcast %broadcast_in_dim3A : f32 to vector<16xf32>
    %scan3A = arith.constant 0 : i32
    %scan3A_5 = arith.constant 0 : i32
    %scan3A_6 = arith.constant 832 : i32
    %scan3A_7 = arith.addi %scan3A_5, %scan3A_6 : i32
    %scan3A_8 = arith.constant 1 : i32
    scf.for %scan3A_66 = %scan3A_5 to %scan3A_7 step %scan3A_8  : i32 {
      %jit3A = arith.constant 8 : i32
      %div3A = arith.divsi %scan3A_66, %jit3A : i32
      %sign3A = arith.constant 0 : i32
      %sign3A_67 = arith.cmpi sgt, %scan3A_66, %sign3A : i32
      %sign3A_68 = arith.extui %sign3A_67 : i1 to i32
      %sign3A_69 = arith.constant 0 : i32
      %sign3A_70 = arith.cmpi slt, %scan3A_66, %sign3A_69 : i32
      %sign3A_71 = arith.extui %sign3A_70 : i1 to i32
      %sign3A_72 = arith.subi %sign3A_68, %sign3A_71 : i32
      %sign3A_73 = arith.constant 0 : i32
      %sign3A_74 = arith.cmpi sgt, %jit3A, %sign3A_73 : i32
      %sign3A_75 = arith.extui %sign3A_74 : i1 to i32
      %sign3A_76 = arith.constant 0 : i32
      %sign3A_77 = arith.cmpi slt, %jit3A, %sign3A_76 : i32
      %sign3A_78 = arith.extui %sign3A_77 : i1 to i32
      %sign3A_79 = arith.subi %sign3A_75, %sign3A_78 : i32
      %ne3A = arith.cmpi ne, %sign3A_72, %sign3A_79 : i32
      %rem3A = arith.remsi %scan3A_66, %jit3A : i32
      %ne3A_80 = arith.constant 0 : i32
      %ne3A_81 = arith.cmpi ne, %rem3A, %ne3A_80 : i32
      %and3A = arith.andi %ne3A, %ne3A_81 : i1
      %sub3A = arith.constant 1 : i32
      %sub3A_82 = arith.subi %div3A, %sub3A : i32
      %select_n3A = arith.select %and3A, %sub3A_82, %div3A : i32
      %jit3A_83 = arith.constant 8 : i32
      %eq3A = arith.constant 0 : i32
      %eq3A_84 = arith.cmpi eq, %jit3A_83, %eq3A : i32
      %jit3A_85 = arith.constant 1 : i32
      %select_n3A_86 = arith.select %eq3A_84, %jit3A_85, %jit3A_83 : i32
      %rem3A_87 = arith.remsi %scan3A_66, %select_n3A_86 : i32
      %ne3A_88 = arith.constant 0 : i32
      %ne3A_89 = arith.cmpi ne, %rem3A_87, %ne3A_88 : i32
      %lt3A_90 = arith.constant 0 : i32
      %lt3A_91 = arith.cmpi slt, %rem3A_87, %lt3A_90 : i32
      %lt3A_92 = arith.constant 0 : i32
      %lt3A_93 = arith.cmpi slt, %select_n3A_86, %lt3A_92 : i32
      %ne3A_94 = arith.xori %lt3A_91, %lt3A_93 : i1
      %and3A_95 = arith.andi %ne3A_94, %ne3A_89 : i1
      %add3A_96 = arith.addi %rem3A_87, %select_n3A_86 : i32
      %select_n3A_97 = arith.select %and3A_95, %add3A_96, %rem3A_87 : i32
      %mul3A_98 = arith.constant 16 : i32
      %mul3A_99 = arith.muli %select_n3A_97, %mul3A_98 : i32
      %swap3A = arith.index_cast %select_n3A : i32 to index
      %swap3A_100 = arith.index_cast %mul3A_99 : i32 to index
      %swap3A_101 = tpu.vector_load %arg14[%swap3A, %swap3A_100] {strides = array<i32>} : memref<104x128xf32, #tpu.memory_space<vmem>>, vector<1x16xf32>,
      %swap3A_102 = vector.shape_cast %swap3A_101 : vector<1x16xf32> to vector<16xf32>
      %swap3A_103 = vector.shape_cast %broadcast_in_dim3A_4 : vector<16xf32> to vector<1x16xf32>
      tpu.vector_store %arg14[%swap3A, %swap3A_100], %swap3A_103 {strides = array<i32>} : memref<104x128xf32, #tpu.memory_space<vmem>>, vector<1x16xf32>,
    }
    %scan3A_9 = arith.constant 832 : i32
    %scan3A_10 = arith.constant 0 : i32
    %scan3A_11 = arith.constant 0 : i32
    %scan3A_12 = arith.constant 6 : i32
    %scan3A_13 = arith.addi %scan3A_11, %scan3A_12 : i32
    %scan3A_14 = arith.constant 1 : i32
    scf.for %scan3A_66 = %scan3A_11 to %scan3A_13 step %scan3A_14  : i32 {
      %mul3A_67 = arith.constant 104 : i32
      %mul3A_68 = arith.muli %scan3A_66, %mul3A_67 : i32
      %add3A_69 = arith.addi %add3A, %mul3A_68 : i32
      "tpu.region"() ({
        %run_scoped3A = tpu.sem_alloc : memref<!tpu.dma_semaphore, #tpu.memory_space<semaphore_mem>>
        %dma_start3A_70 = arith.constant 0 : i32
        %dma_start3A_71 = tpu.memref_slice %arg15[%add3A_69, %dma_start3A_70] : memref<10000x128xf32, #tpu.memory_space<vmem_shared>> -> memref<104x128xf32, #tpu.memory_space<vmem_shared>>
        %dma_start3A_72 = arith.constant 0 : i32
        %dma_start3A_73 = tpu.memref_slice %arg15[%add3A_69, %dma_start3A_72] : memref<10000x128xf32, #tpu.memory_space<vmem_shared>> -> memref<104x128xf32, #tpu.memory_space<vmem_shared>>
        tpu.enqueue_dma source(%arg14 : memref<104x128xf32, #tpu.memory_space<vmem>>) target(%dma_start3A_73 : memref<104x128xf32, #tpu.memory_space<vmem_shared>>) target_semaphore(%run_scoped3A : memref<!tpu.dma_semaphore, #tpu.memory_space<semaphore_mem>>)
        %dma_wait3A_74 = arith.constant 0 : i32
        %dma_wait3A_75 = tpu.memref_slice %arg15[%add3A_69, %dma_wait3A_74] : memref<10000x128xf32, #tpu.memory_space<vmem_shared>> -> memref<104x128xf32, #tpu.memory_space<vmem_shared>>
        %dma_wait3A_76 = arith.constant 0 : i32
        %dma_wait3A_77 = tpu.memref_slice %arg15[%add3A_69, %dma_wait3A_76] : memref<10000x128xf32, #tpu.memory_space<vmem_shared>> -> memref<104x128xf32, #tpu.memory_space<vmem_shared>>
        tpu.wait_dma2 semaphore(%run_scoped3A : memref<!tpu.dma_semaphore, #tpu.memory_space<semaphore_mem>>) src(%arg14 : memref<104x128xf32, #tpu.memory_space<vmem>>) dst(%dma_wait3A_77 : memref<104x128xf32, #tpu.memory_space<vmem_shared>>)
        tpu.yield
      }) : () -> ()
    }
    %scan3A_15 = arith.constant 6 : i32
    %lt3A = arith.constant 2 : i32
    %lt3A_16 = arith.cmpi slt, %arg1, %lt3A : i32
    %convert_element_type3A = arith.extui %lt3A_16 : i1 to i32
    %cond3A = arith.constant 0 : i32
    %cond3A_17 = arith.cmpi ne, %convert_element_type3A, %cond3A : i32
    scf.if %cond3A_17 {
      %add3A_66 = arith.constant 624 : i32
      %add3A_67 = arith.addi %add3A, %add3A_66 : i32
      "tpu.region"() ({
        %run_scoped3A = tpu.sem_alloc : memref<!tpu.dma_semaphore, #tpu.memory_space<semaphore_mem>>
        %dma_start3A_68 = arith.constant 0 : i32
        %dma_start3A_69 = arith.constant 0 : i32
        %dma_start3A_70 = tpu.memref_slice %arg14[%dma_start3A_68, %dma_start3A_69] : memref<104x128xf32, #tpu.memory_space<vmem>> -> memref<8x128xf32, #tpu.memory_space<vmem>>
        %dma_start3A_71 = arith.constant 0 : i32
        %dma_start3A_72 = tpu.memref_slice %arg15[%add3A_67, %dma_start3A_71] : memref<10000x128xf32, #tpu.memory_space<vmem_shared>> -> memref<8x128xf32, #tpu.memory_space<vmem_shared>>
        %dma_start3A_73 = arith.constant 0 : i32
        %dma_start3A_74 = tpu.memref_slice %arg15[%add3A_67, %dma_start3A_73] : memref<10000x128xf32, #tpu.memory_space<vmem_shared>> -> memref<8x128xf32, #tpu.memory_space<vmem_shared>>
        %dma_start3A_75 = arith.constant 0 : i32
        %dma_start3A_76 = arith.constant 0 : i32
        %dma_start3A_77 = tpu.memref_slice %arg14[%dma_start3A_75, %dma_start3A_76] : memref<104x128xf32, #tpu.memory_space<vmem>> -> memref<8x128xf32, #tpu.memory_space<vmem>>
        tpu.enqueue_dma source(%dma_start3A_77 : memref<8x128xf32, #tpu.memory_space<vmem>>) target(%dma_start3A_74 : memref<8x128xf32, #tpu.memory_space<vmem_shared>>) target_semaphore(%run_scoped3A : memref<!tpu.dma_semaphore, #tpu.memory_space<semaphore_mem>>)
        %dma_wait3A_78 = arith.constant 0 : i32
        %dma_wait3A_79 = arith.constant 0 : i32
        %dma_wait3A_80 = tpu.memref_slice %arg14[%dma_wait3A_78, %dma_wait3A_79] : memref<104x128xf32, #tpu.memory_space<vmem>> -> memref<8x128xf32, #tpu.memory_space<vmem>>
        %dma_wait3A_81 = arith.constant 0 : i32
        %dma_wait3A_82 = tpu.memref_slice %arg15[%add3A_67, %dma_wait3A_81] : memref<10000x128xf32, #tpu.memory_space<vmem_shared>> -> memref<8x128xf32, #tpu.memory_space<vmem_shared>>
        %dma_wait3A_83 = arith.constant 0 : i32
        %dma_wait3A_84 = tpu.memref_slice %arg15[%add3A_67, %dma_wait3A_83] : memref<10000x128xf32, #tpu.memory_space<vmem_shared>> -> memref<8x128xf32, #tpu.memory_space<vmem_shared>>
        %dma_wait3A_85 = arith.constant 0 : i32
        %dma_wait3A_86 = arith.constant 0 : i32
        %dma_wait3A_87 = tpu.memref_slice %arg14[%dma_wait3A_85, %dma_wait3A_86] : memref<104x128xf32, #tpu.memory_space<vmem>> -> memref<8x128xf32, #tpu.memory_space<vmem>>
        tpu.wait_dma2 semaphore(%run_scoped3A : memref<!tpu.dma_semaphore, #tpu.memory_space<semaphore_mem>>) src(%dma_wait3A_87 : memref<8x128xf32, #tpu.memory_space<vmem>>) dst(%dma_wait3A_84 : memref<8x128xf32, #tpu.memory_space<vmem_shared>>)
        tpu.yield
      }) : () -> ()
    } else {
    }
    %barrier3A = arith.constant 0 : index
    tpu.barrier barrier_id(%barrier3A)
    %mul3A_18 = arith.constant 320000 : i32
    %mul3A_19 = arith.muli %arg0, %mul3A_18 : i32
    %mul3A_20 = arith.constant 128 : i32
    %mul3A_21 = arith.muli %arg1, %mul3A_20 : i32
    %add3A_22 = arith.addi %mul3A_19, %mul3A_21 : i32
    %dma_start3A = tpu.memref_slice %arg3[%add3A_22] : memref<640000xi32, #tpu.memory_space<hbm>> -> memref<128xi32, #tpu.memory_space<hbm>>
    %dma_start3A_23 = tpu.memref_slice %arg3[%add3A_22] : memref<640000xi32, #tpu.memory_space<hbm>> -> memref<128xi32, #tpu.memory_space<hbm>>
    tpu.enqueue_dma source(%dma_start3A_23 : memref<128xi32, #tpu.memory_space<hbm>>) target(%arg6 : memref<128xi32, #tpu.memory_space<vmem>>) target_semaphore(%arg18 : memref<!tpu.dma_semaphore, #tpu.memory_space<semaphore_mem>>)
    %dma_start3A_24 = tpu.memref_slice %arg4[%add3A_22] : memref<640000xi32, #tpu.memory_space<hbm>> -> memref<128xi32, #tpu.memory_space<hbm>>
    %dma_start3A_25 = tpu.memref_slice %arg4[%add3A_22] : memref<640000xi32, #tpu.memory_space<hbm>> -> memref<128xi32, #tpu.memory_space<hbm>>
    tpu.enqueue_dma source(%dma_start3A_25 : memref<128xi32, #tpu.memory_space<hbm>>) target(%arg7 : memref<128xi32, #tpu.memory_space<vmem>>) target_semaphore(%arg18 : memref<!tpu.dma_semaphore, #tpu.memory_space<semaphore_mem>>)
    %add3A_26 = arith.constant 16 : i32
    %add3A_27 = arith.addi %add3A_26, %arg1 : i32
    %mul3A_28 = arith.constant 320000 : i32
    %mul3A_29 = arith.muli %arg0, %mul3A_28 : i32
    %mul3A_30 = arith.constant 128 : i32
    %mul3A_31 = arith.muli %add3A_27, %mul3A_30 : i32
    %add3A_32 = arith.addi %mul3A_29, %mul3A_31 : i32
    %dma_start3A_33 = tpu.memref_slice %arg3[%add3A_32] : memref<640000xi32, #tpu.memory_space<hbm>> -> memref<128xi32, #tpu.memory_space<hbm>>
    %dma_start3A_34 = tpu.memref_slice %arg3[%add3A_32] : memref<640000xi32, #tpu.memory_space<hbm>> -> memref<128xi32, #tpu.memory_space<hbm>>
    tpu.enqueue_dma source(%dma_start3A_34 : memref<128xi32, #tpu.memory_space<hbm>>) target(%arg8 : memref<128xi32, #tpu.memory_space<vmem>>) target_semaphore(%arg19 : memref<!tpu.dma_semaphore, #tpu.memory_space<semaphore_mem>>)
    %dma_start3A_35 = tpu.memref_slice %arg4[%add3A_32] : memref<640000xi32, #tpu.memory_space<hbm>> -> memref<128xi32, #tpu.memory_space<hbm>>
    %dma_start3A_36 = tpu.memref_slice %arg4[%add3A_32] : memref<640000xi32, #tpu.memory_space<hbm>> -> memref<128xi32, #tpu.memory_space<hbm>>
    tpu.enqueue_dma source(%dma_start3A_36 : memref<128xi32, #tpu.memory_space<hbm>>) target(%arg9 : memref<128xi32, #tpu.memory_space<vmem>>) target_semaphore(%arg19 : memref<!tpu.dma_semaphore, #tpu.memory_space<semaphore_mem>>)
    %dma_wait3A = arith.constant 0 : i32
    %dma_wait3A_37 = tpu.memref_slice %arg3[%dma_wait3A] : memref<640000xi32, #tpu.memory_space<hbm>> -> memref<128xi32, #tpu.memory_space<hbm>>
    %dma_wait3A_38 = arith.constant 0 : i32
    %dma_wait3A_39 = tpu.memref_slice %arg3[%dma_wait3A_38] : memref<640000xi32, #tpu.memory_space<hbm>> -> memref<128xi32, #tpu.memory_space<hbm>>
    tpu.wait_dma2 semaphore(%arg18 : memref<!tpu.dma_semaphore, #tpu.memory_space<semaphore_mem>>) src(%dma_wait3A_39 : memref<128xi32, #tpu.memory_space<hbm>>) dst(%arg6 : memref<128xi32, #tpu.memory_space<vmem>>)
    %dma_wait3A_40 = arith.constant 0 : i32
    %dma_wait3A_41 = tpu.memref_slice %arg4[%dma_wait3A_40] : memref<640000xi32, #tpu.memory_space<hbm>> -> memref<128xi32, #tpu.memory_space<hbm>>
    %dma_wait3A_42 = arith.constant 0 : i32
    %dma_wait3A_43 = tpu.memref_slice %arg4[%dma_wait3A_42] : memref<640000xi32, #tpu.memory_space<hbm>> -> memref<128xi32, #tpu.memory_space<hbm>>
    tpu.wait_dma2 semaphore(%arg18 : memref<!tpu.dma_semaphore, #tpu.memory_space<semaphore_mem>>) src(%dma_wait3A_43 : memref<128xi32, #tpu.memory_space<hbm>>) dst(%arg7 : memref<128xi32, #tpu.memory_space<vmem>>)
    %dma_start3A_44 = arith.constant 0 : i32
    %dma_start3A_45 = arith.constant 0 : i32
    %dma_start3A_46 = tpu.memref_slice %arg2[%dma_start3A_44, %dma_start3A_45] : memref<10000x128xf32, #tpu.memory_space<hbm>> -> memref<10000x128xf32, #tpu.memory_space<hbm>>
    tpu.enqueue_indirect_dma source(%dma_start3A_46 : memref<10000x128xf32, #tpu.memory_space<hbm>>) target(%arg12 : memref<128x128xf32, #tpu.memory_space<vmem>>) offsets(%arg7 : memref<128xi32, #tpu.memory_space<vmem>>) semaphore(%arg16 : memref<!tpu.dma_semaphore, #tpu.memory_space<semaphore_mem>>)
    %scan3A_47 = arith.constant 0 : i32
    %scan3A_48 = arith.constant 0 : i32
    %scan3A_49 = arith.constant 79 : i32
    %scan3A_50 = arith.addi %scan3A_48, %scan3A_49 : i32
    %scan3A_51 = arith.constant 1 : i32
    scf.for %scan3A_66 = %scan3A_48 to %scan3A_50 step %scan3A_51  : i32 {
      %mul3A_67 = arith.constant 2 : i32
      %mul3A_68 = arith.muli %scan3A_66, %mul3A_67 : i32
      %mul3A_69 = arith.constant 16 : i32
      %mul3A_70 = arith.muli %mul3A_68, %mul3A_69 : i32
      %add3A_71 = arith.addi %mul3A_70, %arg1 : i32
      %ge3A = arith.constant 16 : i32
      %ge3A_72 = arith.cmpi sge, %add3A_71, %ge3A : i32
      %sub3A = arith.constant 16 : i32
      %sub3A_73 = arith.subi %add3A_71, %sub3A : i32
      %lt3A_74 = arith.constant 2500 : i32
      %lt3A_75 = arith.cmpi slt, %sub3A_73, %lt3A_74 : i32
      %and3A = arith.andi %ge3A_72, %lt3A_75 : i1
      %convert_element_type3A_76 = arith.extui %and3A : i1 to i32
      %cond3A_77 = arith.constant 0 : i32
      %cond3A_78 = arith.cmpi ne, %convert_element_type3A_76, %cond3A_77 : i32
      scf.if %cond3A_78 {
        %dma_wait3A_120 = arith.constant 0 : i32
        %dma_wait3A_121 = arith.constant 0 : i32
        %dma_wait3A_122 = tpu.memref_slice %arg15[%dma_wait3A_120, %dma_wait3A_121] : memref<10000x128xf32, #tpu.memory_space<vmem_shared>> -> memref<10000x128xf32, #tpu.memory_space<vmem_shared>>
        tpu.wait_indirect_dma semaphore(%arg21 : memref<!tpu.dma_semaphore, #tpu.memory_space<semaphore_mem>>) src(%arg13 : memref<128x128xf32, #tpu.memory_space<vmem>>) dst(%dma_wait3A_122 : memref<10000x128xf32, #tpu.memory_space<vmem_shared>>)
      } else {
      }
      %add3A_79 = arith.constant 16 : i32
      %add3A_80 = arith.addi %add3A_71, %add3A_79 : i32
      %lt3A_81 = arith.constant 2500 : i32
      %lt3A_82 = arith.cmpi slt, %add3A_80, %lt3A_81 : i32
      %convert_element_type3A_83 = arith.extui %lt3A_82 : i1 to i32
      %cond3A_84 = arith.constant 0 : i32
      %cond3A_85 = arith.cmpi ne, %convert_element_type3A_83, %cond3A_84 : i32
      scf.if %cond3A_85 {
        %dma_wait3A_120 = arith.constant 0 : i32
        %dma_wait3A_121 = tpu.memref_slice %arg3[%dma_wait3A_120] : memref<640000xi32, #tpu.memory_space<hbm>> -> memref<128xi32, #tpu.memory_space<hbm>>
        %dma_wait3A_122 = arith.constant 0 : i32
        %dma_wait3A_123 = tpu.memref_slice %arg3[%dma_wait3A_122] : memref<640000xi32, #tpu.memory_space<hbm>> -> memref<128xi32, #tpu.memory_space<hbm>>
        tpu.wait_dma2 semaphore(%arg19 : memref<!tpu.dma_semaphore, #tpu.memory_space<semaphore_mem>>) src(%dma_wait3A_123 : memref<128xi32, #tpu.memory_space<hbm>>) dst(%arg8 : memref<128xi32, #tpu.memory_space<vmem>>)
        %dma_wait3A_124 = arith.constant 0 : i32
        %dma_wait3A_125 = tpu.memref_slice %arg4[%dma_wait3A_124] : memref<640000xi32, #tpu.memory_space<hbm>> -> memref<128xi32, #tpu.memory_space<hbm>>
        %dma_wait3A_126 = arith.constant 0 : i32
        %dma_wait3A_127 = tpu.memref_slice %arg4[%dma_wait3A_126] : memref<640000xi32, #tpu.memory_space<hbm>> -> memref<128xi32, #tpu.memory_space<hbm>>
        tpu.wait_dma2 semaphore(%arg19 : memref<!tpu.dma_semaphore, #tpu.memory_space<semaphore_mem>>) src(%dma_wait3A_127 : memref<128xi32, #tpu.memory_space<hbm>>) dst(%arg9 : memref<128xi32, #tpu.memory_space<vmem>>)
        %dma_start3A_128 = arith.constant 0 : i32
        %dma_start3A_129 = arith.constant 0 : i32
        %dma_start3A_130 = tpu.memref_slice %arg2[%dma_start3A_128, %dma_start3A_129] : memref<10000x128xf32, #tpu.memory_space<hbm>> -> memref<10000x128xf32, #tpu.memory_space<hbm>>
        tpu.enqueue_indirect_dma source(%dma_start3A_130 : memref<10000x128xf32, #tpu.memory_space<hbm>>) target(%arg13 : memref<128x128xf32, #tpu.memory_space<vmem>>) offsets(%arg9 : memref<128xi32, #tpu.memory_space<vmem>>) semaphore(%arg17 : memref<!tpu.dma_semaphore, #tpu.memory_space<semaphore_mem>>)
      } else {
      }
      %lt3A_86 = arith.constant 2500 : i32
      %lt3A_87 = arith.cmpi slt, %add3A_71, %lt3A_86 : i32
      %convert_element_type3A_88 = arith.extui %lt3A_87 : i1 to i32
      %cond3A_89 = arith.constant 0 : i32
      %cond3A_90 = arith.cmpi ne, %convert_element_type3A_88, %cond3A_89 : i32
      scf.if %cond3A_90 {
        %dma_wait3A_120 = arith.constant 0 : i32
        %dma_wait3A_121 = arith.constant 0 : i32
        %dma_wait3A_122 = tpu.memref_slice %arg2[%dma_wait3A_120, %dma_wait3A_121] : memref<10000x128xf32, #tpu.memory_space<hbm>> -> memref<10000x128xf32, #tpu.memory_space<hbm>>
        tpu.wait_indirect_dma semaphore(%arg16 : memref<!tpu.dma_semaphore, #tpu.memory_space<semaphore_mem>>) src(%dma_wait3A_122 : memref<10000x128xf32, #tpu.memory_space<hbm>>) dst(%arg12 : memref<128x128xf32, #tpu.memory_space<vmem>>)
        %get3A = arith.constant 0 : index
        %get3A_123 = tpu.vector_load %arg6[%get3A] {strides = array<i32>} : memref<128xi32, #tpu.memory_space<vmem>>, vector<16xi32>,
        %get3A_124 = vector.shape_cast %get3A_123 : vector<16xi32> to vector<16xi32>
        %swap3A = arith.constant 0 : index
        %swap3A_125 = tpu.vector_load %arg10[%swap3A] {strides = array<i32>} : memref<128xi32, #tpu.memory_space<vmem>>, vector<16xi32>,
        %swap3A_126 = vector.shape_cast %swap3A_125 : vector<16xi32> to vector<16xi32>
        %swap3A_127 = vector.shape_cast %get3A_124 : vector<16xi32> to vector<16xi32>
        tpu.vector_store %arg10[%swap3A], %swap3A_127 {strides = array<i32>} : memref<128xi32, #tpu.memory_space<vmem>>, vector<16xi32>,
        %get3A_128 = arith.constant 16 : index
        %get3A_129 = tpu.vector_load %arg6[%get3A_128] {strides = array<i32>} : memref<128xi32, #tpu.memory_space<vmem>>, vector<16xi32>,
        %get3A_130 = vector.shape_cast %get3A_129 : vector<16xi32> to vector<16xi32>
        %swap3A_131 = arith.constant 16 : index
        %swap3A_132 = tpu.vector_load %arg10[%swap3A_131] {strides = array<i32>} : memref<128xi32, #tpu.memory_space<vmem>>, vector<16xi32>,
        %swap3A_133 = vector.shape_cast %swap3A_132 : vector<16xi32> to vector<16xi32>
        %swap3A_134 = vector.shape_cast %get3A_130 : vector<16xi32> to vector<16xi32>
        tpu.vector_store %arg10[%swap3A_131], %swap3A_134 {strides = array<i32>} : memref<128xi32, #tpu.memory_space<vmem>>, vector<16xi32>,
        %get3A_135 = arith.constant 32 : index
        %get3A_136 = tpu.vector_load %arg6[%get3A_135] {strides = array<i32>} : memref<128xi32, #tpu.memory_space<vmem>>, vector<16xi32>,
        %get3A_137 = vector.shape_cast %get3A_136 : vector<16xi32> to vector<16xi32>
        %swap3A_138 = arith.constant 32 : index
        %swap3A_139 = tpu.vector_load %arg10[%swap3A_138] {strides = array<i32>} : memref<128xi32, #tpu.memory_space<vmem>>, vector<16xi32>,
        %swap3A_140 = vector.shape_cast %swap3A_139 : vector<16xi32> to vector<16xi32>
        %swap3A_141 = vector.shape_cast %get3A_137 : vector<16xi32> to vector<16xi32>
        tpu.vector_store %arg10[%swap3A_138], %swap3A_141 {strides = array<i32>} : memref<128xi32, #tpu.memory_space<vmem>>, vector<16xi32>,
        %get3A_142 = arith.constant 48 : index
        %get3A_143 = tpu.vector_load %arg6[%get3A_142] {strides = array<i32>} : memref<128xi32, #tpu.memory_space<vmem>>, vector<16xi32>,
        %get3A_144 = vector.shape_cast %get3A_143 : vector<16xi32> to vector<16xi32>
        %swap3A_145 = arith.constant 48 : index
        %swap3A_146 = tpu.vector_load %arg10[%swap3A_145] {strides = array<i32>} : memref<128xi32, #tpu.memory_space<vmem>>, vector<16xi32>,
        %swap3A_147 = vector.shape_cast %swap3A_146 : vector<16xi32> to vector<16xi32>
        %swap3A_148 = vector.shape_cast %get3A_144 : vector<16xi32> to vector<16xi32>
        tpu.vector_store %arg10[%swap3A_145], %swap3A_148 {strides = array<i32>} : memref<128xi32, #tpu.memory_space<vmem>>, vector<16xi32>,
        %get3A_149 = arith.constant 64 : index
        %get3A_150 = tpu.vector_load %arg6[%get3A_149] {strides = array<i32>} : memref<128xi32, #tpu.memory_space<vmem>>, vector<16xi32>,
        %get3A_151 = vector.shape_cast %get3A_150 : vector<16xi32> to vector<16xi32>
        %swap3A_152 = arith.constant 64 : index
        %swap3A_153 = tpu.vector_load %arg10[%swap3A_152] {strides = array<i32>} : memref<128xi32, #tpu.memory_space<vmem>>, vector<16xi32>,
        %swap3A_154 = vector.shape_cast %swap3A_153 : vector<16xi32> to vector<16xi32>
        %swap3A_155 = vector.shape_cast %get3A_151 : vector<16xi32> to vector<16xi32>
        tpu.vector_store %arg10[%swap3A_152], %swap3A_155 {strides = array<i32>} : memref<128xi32, #tpu.memory_space<vmem>>, vector<16xi32>,
        %get3A_156 = arith.constant 80 : index
        %get3A_157 = tpu.vector_load %arg6[%get3A_156] {strides = array<i32>} : memref<128xi32, #tpu.memory_space<vmem>>, vector<16xi32>,
        %get3A_158 = vector.shape_cast %get3A_157 : vector<16xi32> to vector<16xi32>
        %swap3A_159 = arith.constant 80 : index
        %swap3A_160 = tpu.vector_load %arg10[%swap3A_159] {strides = array<i32>} : memref<128xi32, #tpu.memory_space<vmem>>, vector<16xi32>,
        %swap3A_161 = vector.shape_cast %swap3A_160 : vector<16xi32> to vector<16xi32>
        %swap3A_162 = vector.shape_cast %get3A_158 : vector<16xi32> to vector<16xi32>
        tpu.vector_store %arg10[%swap3A_159], %swap3A_162 {strides = array<i32>} : memref<128xi32, #tpu.memory_space<vmem>>, vector<16xi32>,
        %get3A_163 = arith.constant 96 : index
        %get3A_164 = tpu.vector_load %arg6[%get3A_163] {strides = array<i32>} : memref<128xi32, #tpu.memory_space<vmem>>, vector<16xi32>,
        %get3A_165 = vector.shape_cast %get3A_164 : vector<16xi32> to vector<16xi32>
        %swap3A_166 = arith.constant 96 : index
        %swap3A_167 = tpu.vector_load %arg10[%swap3A_166] {strides = array<i32>} : memref<128xi32, #tpu.memory_space<vmem>>, vector<16xi32>,
        %swap3A_168 = vector.shape_cast %swap3A_167 : vector<16xi32> to vector<16xi32>
        %swap3A_169 = vector.shape_cast %get3A_165 : vector<16xi32> to vector<16xi32>
        tpu.vector_store %arg10[%swap3A_166], %swap3A_169 {strides = array<i32>} : memref<128xi32, #tpu.memory_space<vmem>>, vector<16xi32>,
        %get3A_170 = arith.constant 112 : index
        %get3A_171 = tpu.vector_load %arg6[%get3A_170] {strides = array<i32>} : memref<128xi32, #tpu.memory_space<vmem>>, vector<16xi32>,
        %get3A_172 = vector.shape_cast %get3A_171 : vector<16xi32> to vector<16xi32>
        %swap3A_173 = arith.constant 112 : index
        %swap3A_174 = tpu.vector_load %arg10[%swap3A_173] {strides = array<i32>} : memref<128xi32, #tpu.memory_space<vmem>>, vector<16xi32>,
        %swap3A_175 = vector.shape_cast %swap3A_174 : vector<16xi32> to vector<16xi32>
        %swap3A_176 = vector.shape_cast %get3A_172 : vector<16xi32> to vector<16xi32>
        tpu.vector_store %arg10[%swap3A_173], %swap3A_176 {strides = array<i32>} : memref<128xi32, #tpu.memory_space<vmem>>, vector<16xi32>,
        %dma_start3A_177 = arith.constant 0 : i32
        %dma_start3A_178 = arith.constant 0 : i32
        %dma_start3A_179 = tpu.memref_slice %arg15[%dma_start3A_177, %dma_start3A_178] : memref<10000x128xf32, #tpu.memory_space<vmem_shared>> -> memref<10000x128xf32, #tpu.memory_space<vmem_shared>>
        tpu.enqueue_indirect_dma source(%arg12 : memref<128x128xf32, #tpu.memory_space<vmem>>) target(%dma_start3A_179 : memref<10000x128xf32, #tpu.memory_space<vmem_shared>>) offsets(%arg10 : memref<128xi32, #tpu.memory_space<vmem>>) semaphore(%arg20 : memref<!tpu.dma_semaphore, #tpu.memory_space<semaphore_mem>>) {add = true}
        %add3A_180 = arith.constant 32 : i32
        %add3A_181 = arith.addi %add3A_71, %add3A_180 : i32
        %lt3A_182 = arith.constant 2500 : i32
        %lt3A_183 = arith.cmpi slt, %add3A_181, %lt3A_182 : i32
        %convert_element_type3A_184 = arith.extui %lt3A_183 : i1 to i32
        %cond3A_185 = arith.constant 0 : i32
        %cond3A_186 = arith.cmpi ne, %convert_element_type3A_184, %cond3A_185 : i32
        scf.if %cond3A_186 {
          %add3A_187 = arith.constant 32 : i32
          %add3A_188 = arith.addi %add3A_71, %add3A_187 : i32
          %mul3A_189 = arith.constant 320000 : i32
          %mul3A_190 = arith.muli %arg0, %mul3A_189 : i32
          %mul3A_191 = arith.constant 128 : i32
          %mul3A_192 = arith.muli %add3A_188, %mul3A_191 : i32
          %add3A_193 = arith.addi %mul3A_190, %mul3A_192 : i32
          %dma_start3A_194 = tpu.memref_slice %arg3[%add3A_193] : memref<640000xi32, #tpu.memory_space<hbm>> -> memref<128xi32, #tpu.memory_space<hbm>>
          %dma_start3A_195 = tpu.memref_slice %arg3[%add3A_193] : memref<640000xi32, #tpu.memory_space<hbm>> -> memref<128xi32, #tpu.memory_space<hbm>>
          tpu.enqueue_dma source(%dma_start3A_195 : memref<128xi32, #tpu.memory_space<hbm>>) target(%arg6 : memref<128xi32, #tpu.memory_space<vmem>>) target_semaphore(%arg18 : memref<!tpu.dma_semaphore, #tpu.memory_space<semaphore_mem>>)
          %dma_start3A_196 = tpu.memref_slice %arg4[%add3A_193] : memref<640000xi32, #tpu.memory_space<hbm>> -> memref<128xi32, #tpu.memory_space<hbm>>
          %dma_start3A_197 = tpu.memref_slice %arg4[%add3A_193] : memref<640000xi32, #tpu.memory_space<hbm>> -> memref<128xi32, #tpu.memory_space<hbm>>
          tpu.enqueue_dma source(%dma_start3A_197 : memref<128xi32, #tpu.memory_space<hbm>>) target(%arg7 : memref<128xi32, #tpu.memory_space<vmem>>) target_semaphore(%arg18 : memref<!tpu.dma_semaphore, #tpu.memory_space<semaphore_mem>>)
        } else {
        }
      } else {
      }
      %mul3A_91 = arith.constant 2 : i32
      %mul3A_92 = arith.muli %scan3A_66, %mul3A_91 : i32
      %add3A_93 = arith.constant 1 : i32
      %add3A_94 = arith.addi %mul3A_92, %add3A_93 : i32
      %mul3A_95 = arith.constant 16 : i32
      %mul3A_96 = arith.muli %add3A_94, %mul3A_95 : i32
      %add3A_97 = arith.addi %mul3A_96, %arg1 : i32
      %ge3A_98 = arith.constant 16 : i32
      %ge3A_99 = arith.cmpi sge, %add3A_97, %ge3A_98 : i32
      %sub3A_100 = arith.constant 16 : i32
      %sub3A_101 = arith.subi %add3A_97, %sub3A_100 : i32
      %lt3A_102 = arith.constant 2500 : i32
      %lt3A_103 = arith.cmpi slt, %sub3A_101, %lt3A_102 : i32
      %and3A_104 = arith.andi %ge3A_99, %lt3A_103 : i1
      %convert_element_type3A_105 = arith.extui %and3A_104 : i1 to i32
      %cond3A_106 = arith.constant 0 : i32
      %cond3A_107 = arith.cmpi ne, %convert_element_type3A_105, %cond3A_106 : i32
      scf.if %cond3A_107 {
        %dma_wait3A_120 = arith.constant 0 : i32
        %dma_wait3A_121 = arith.constant 0 : i32
        %dma_wait3A_122 = tpu.memref_slice %arg15[%dma_wait3A_120, %dma_wait3A_121] : memref<10000x128xf32, #tpu.memory_space<vmem_shared>> -> memref<10000x128xf32, #tpu.memory_space<vmem_shared>>
        tpu.wait_indirect_dma semaphore(%arg20 : memref<!tpu.dma_semaphore, #tpu.memory_space<semaphore_mem>>) src(%arg12 : memref<128x128xf32, #tpu.memory_space<vmem>>) dst(%dma_wait3A_122 : memref<10000x128xf32, #tpu.memory_space<vmem_shared>>)
      } else {
      }
      %add3A_108 = arith.constant 16 : i32
      %add3A_109 = arith.addi %add3A_97, %add3A_108 : i32
      %lt3A_110 = arith.constant 2500 : i32
      %lt3A_111 = arith.cmpi slt, %add3A_109, %lt3A_110 : i32
      %convert_element_type3A_112 = arith.extui %lt3A_111 : i1 to i32
      %cond3A_113 = arith.constant 0 : i32
      %cond3A_114 = arith.cmpi ne, %convert_element_type3A_112, %cond3A_113 : i32
      scf.if %cond3A_114 {
        %dma_wait3A_120 = arith.constant 0 : i32
        %dma_wait3A_121 = tpu.memref_slice %arg3[%dma_wait3A_120] : memref<640000xi32, #tpu.memory_space<hbm>> -> memref<128xi32, #tpu.memory_space<hbm>>
        %dma_wait3A_122 = arith.constant 0 : i32
        %dma_wait3A_123 = tpu.memref_slice %arg3[%dma_wait3A_122] : memref<640000xi32, #tpu.memory_space<hbm>> -> memref<128xi32, #tpu.memory_space<hbm>>
        tpu.wait_dma2 semaphore(%arg18 : memref<!tpu.dma_semaphore, #tpu.memory_space<semaphore_mem>>) src(%dma_wait3A_123 : memref<128xi32, #tpu.memory_space<hbm>>) dst(%arg6 : memref<128xi32, #tpu.memory_space<vmem>>)
        %dma_wait3A_124 = arith.constant 0 : i32
        %dma_wait3A_125 = tpu.memref_slice %arg4[%dma_wait3A_124] : memref<640000xi32, #tpu.memory_space<hbm>> -> memref<128xi32, #tpu.memory_space<hbm>>
        %dma_wait3A_126 = arith.constant 0 : i32
        %dma_wait3A_127 = tpu.memref_slice %arg4[%dma_wait3A_126] : memref<640000xi32, #tpu.memory_space<hbm>> -> memref<128xi32, #tpu.memory_space<hbm>>
        tpu.wait_dma2 semaphore(%arg18 : memref<!tpu.dma_semaphore, #tpu.memory_space<semaphore_mem>>) src(%dma_wait3A_127 : memref<128xi32, #tpu.memory_space<hbm>>) dst(%arg7 : memref<128xi32, #tpu.memory_space<vmem>>)
        %dma_start3A_128 = arith.constant 0 : i32
        %dma_start3A_129 = arith.constant 0 : i32
        %dma_start3A_130 = tpu.memref_slice %arg2[%dma_start3A_128, %dma_start3A_129] : memref<10000x128xf32, #tpu.memory_space<hbm>> -> memref<10000x128xf32, #tpu.memory_space<hbm>>
        tpu.enqueue_indirect_dma source(%dma_start3A_130 : memref<10000x128xf32, #tpu.memory_space<hbm>>) target(%arg12 : memref<128x128xf32, #tpu.memory_space<vmem>>) offsets(%arg7 : memref<128xi32, #tpu.memory_space<vmem>>) semaphore(%arg16 : memref<!tpu.dma_semaphore, #tpu.memory_space<semaphore_mem>>)
      } else {
      }
      %lt3A_115 = arith.constant 2500 : i32
      %lt3A_116 = arith.cmpi slt, %add3A_97, %lt3A_115 : i32
      %convert_element_type3A_117 = arith.extui %lt3A_116 : i1 to i32
      %cond3A_118 = arith.constant 0 : i32
      %cond3A_119 = arith.cmpi ne, %convert_element_type3A_117, %cond3A_118 : i32
      scf.if %cond3A_119 {
        %dma_wait3A_120 = arith.constant 0 : i32
        %dma_wait3A_121 = arith.constant 0 : i32
        %dma_wait3A_122 = tpu.memref_slice %arg2[%dma_wait3A_120, %dma_wait3A_121] : memref<10000x128xf32, #tpu.memory_space<hbm>> -> memref<10000x128xf32, #tpu.memory_space<hbm>>
        tpu.wait_indirect_dma semaphore(%arg17 : memref<!tpu.dma_semaphore, #tpu.memory_space<semaphore_mem>>) src(%dma_wait3A_122 : memref<10000x128xf32, #tpu.memory_space<hbm>>) dst(%arg13 : memref<128x128xf32, #tpu.memory_space<vmem>>)
        %get3A = arith.constant 0 : index
        %get3A_123 = tpu.vector_load %arg8[%get3A] {strides = array<i32>} : memref<128xi32, #tpu.memory_space<vmem>>, vector<16xi32>,
        %get3A_124 = vector.shape_cast %get3A_123 : vector<16xi32> to vector<16xi32>
        %swap3A = arith.constant 0 : index
        %swap3A_125 = tpu.vector_load %arg11[%swap3A] {strides = array<i32>} : memref<128xi32, #tpu.memory_space<vmem>>, vector<16xi32>,
        %swap3A_126 = vector.shape_cast %swap3A_125 : vector<16xi32> to vector<16xi32>
        %swap3A_127 = vector.shape_cast %get3A_124 : vector<16xi32> to vector<16xi32>
        tpu.vector_store %arg11[%swap3A], %swap3A_127 {strides = array<i32>} : memref<128xi32, #tpu.memory_space<vmem>>, vector<16xi32>,
        %get3A_128 = arith.constant 16 : index
        %get3A_129 = tpu.vector_load %arg8[%get3A_128] {strides = array<i32>} : memref<128xi32, #tpu.memory_space<vmem>>, vector<16xi32>,
        %get3A_130 = vector.shape_cast %get3A_129 : vector<16xi32> to vector<16xi32>
        %swap3A_131 = arith.constant 16 : index
        %swap3A_132 = tpu.vector_load %arg11[%swap3A_131] {strides = array<i32>} : memref<128xi32, #tpu.memory_space<vmem>>, vector<16xi32>,
        %swap3A_133 = vector.shape_cast %swap3A_132 : vector<16xi32> to vector<16xi32>
        %swap3A_134 = vector.shape_cast %get3A_130 : vector<16xi32> to vector<16xi32>
        tpu.vector_store %arg11[%swap3A_131], %swap3A_134 {strides = array<i32>} : memref<128xi32, #tpu.memory_space<vmem>>, vector<16xi32>,
        %get3A_135 = arith.constant 32 : index
        %get3A_136 = tpu.vector_load %arg8[%get3A_135] {strides = array<i32>} : memref<128xi32, #tpu.memory_space<vmem>>, vector<16xi32>,
        %get3A_137 = vector.shape_cast %get3A_136 : vector<16xi32> to vector<16xi32>
        %swap3A_138 = arith.constant 32 : index
        %swap3A_139 = tpu.vector_load %arg11[%swap3A_138] {strides = array<i32>} : memref<128xi32, #tpu.memory_space<vmem>>, vector<16xi32>,
        %swap3A_140 = vector.shape_cast %swap3A_139 : vector<16xi32> to vector<16xi32>
        %swap3A_141 = vector.shape_cast %get3A_137 : vector<16xi32> to vector<16xi32>
        tpu.vector_store %arg11[%swap3A_138], %swap3A_141 {strides = array<i32>} : memref<128xi32, #tpu.memory_space<vmem>>, vector<16xi32>,
        %get3A_142 = arith.constant 48 : index
        %get3A_143 = tpu.vector_load %arg8[%get3A_142] {strides = array<i32>} : memref<128xi32, #tpu.memory_space<vmem>>, vector<16xi32>,
        %get3A_144 = vector.shape_cast %get3A_143 : vector<16xi32> to vector<16xi32>
        %swap3A_145 = arith.constant 48 : index
        %swap3A_146 = tpu.vector_load %arg11[%swap3A_145] {strides = array<i32>} : memref<128xi32, #tpu.memory_space<vmem>>, vector<16xi32>,
        %swap3A_147 = vector.shape_cast %swap3A_146 : vector<16xi32> to vector<16xi32>
        %swap3A_148 = vector.shape_cast %get3A_144 : vector<16xi32> to vector<16xi32>
        tpu.vector_store %arg11[%swap3A_145], %swap3A_148 {strides = array<i32>} : memref<128xi32, #tpu.memory_space<vmem>>, vector<16xi32>,
        %get3A_149 = arith.constant 64 : index
        %get3A_150 = tpu.vector_load %arg8[%get3A_149] {strides = array<i32>} : memref<128xi32, #tpu.memory_space<vmem>>, vector<16xi32>,
        %get3A_151 = vector.shape_cast %get3A_150 : vector<16xi32> to vector<16xi32>
        %swap3A_152 = arith.constant 64 : index
        %swap3A_153 = tpu.vector_load %arg11[%swap3A_152] {strides = array<i32>} : memref<128xi32, #tpu.memory_space<vmem>>, vector<16xi32>,
        %swap3A_154 = vector.shape_cast %swap3A_153 : vector<16xi32> to vector<16xi32>
        %swap3A_155 = vector.shape_cast %get3A_151 : vector<16xi32> to vector<16xi32>
        tpu.vector_store %arg11[%swap3A_152], %swap3A_155 {strides = array<i32>} : memref<128xi32, #tpu.memory_space<vmem>>, vector<16xi32>,
        %get3A_156 = arith.constant 80 : index
        %get3A_157 = tpu.vector_load %arg8[%get3A_156] {strides = array<i32>} : memref<128xi32, #tpu.memory_space<vmem>>, vector<16xi32>,
        %get3A_158 = vector.shape_cast %get3A_157 : vector<16xi32> to vector<16xi32>
        %swap3A_159 = arith.constant 80 : index
        %swap3A_160 = tpu.vector_load %arg11[%swap3A_159] {strides = array<i32>} : memref<128xi32, #tpu.memory_space<vmem>>, vector<16xi32>,
        %swap3A_161 = vector.shape_cast %swap3A_160 : vector<16xi32> to vector<16xi32>
        %swap3A_162 = vector.shape_cast %get3A_158 : vector<16xi32> to vector<16xi32>
        tpu.vector_store %arg11[%swap3A_159], %swap3A_162 {strides = array<i32>} : memref<128xi32, #tpu.memory_space<vmem>>, vector<16xi32>,
        %get3A_163 = arith.constant 96 : index
        %get3A_164 = tpu.vector_load %arg8[%get3A_163] {strides = array<i32>} : memref<128xi32, #tpu.memory_space<vmem>>, vector<16xi32>,
        %get3A_165 = vector.shape_cast %get3A_164 : vector<16xi32> to vector<16xi32>
        %swap3A_166 = arith.constant 96 : index
        %swap3A_167 = tpu.vector_load %arg11[%swap3A_166] {strides = array<i32>} : memref<128xi32, #tpu.memory_space<vmem>>, vector<16xi32>,
        %swap3A_168 = vector.shape_cast %swap3A_167 : vector<16xi32> to vector<16xi32>
        %swap3A_169 = vector.shape_cast %get3A_165 : vector<16xi32> to vector<16xi32>
        tpu.vector_store %arg11[%swap3A_166], %swap3A_169 {strides = array<i32>} : memref<128xi32, #tpu.memory_space<vmem>>, vector<16xi32>,
        %get3A_170 = arith.constant 112 : index
        %get3A_171 = tpu.vector_load %arg8[%get3A_170] {strides = array<i32>} : memref<128xi32, #tpu.memory_space<vmem>>, vector<16xi32>,
        %get3A_172 = vector.shape_cast %get3A_171 : vector<16xi32> to vector<16xi32>
        %swap3A_173 = arith.constant 112 : index
        %swap3A_174 = tpu.vector_load %arg11[%swap3A_173] {strides = array<i32>} : memref<128xi32, #tpu.memory_space<vmem>>, vector<16xi32>,
        %swap3A_175 = vector.shape_cast %swap3A_174 : vector<16xi32> to vector<16xi32>
        %swap3A_176 = vector.shape_cast %get3A_172 : vector<16xi32> to vector<16xi32>
        tpu.vector_store %arg11[%swap3A_173], %swap3A_176 {strides = array<i32>} : memref<128xi32, #tpu.memory_space<vmem>>, vector<16xi32>,
        %dma_start3A_177 = arith.constant 0 : i32
        %dma_start3A_178 = arith.constant 0 : i32
        %dma_start3A_179 = tpu.memref_slice %arg15[%dma_start3A_177, %dma_start3A_178] : memref<10000x128xf32, #tpu.memory_space<vmem_shared>> -> memref<10000x128xf32, #tpu.memory_space<vmem_shared>>
        tpu.enqueue_indirect_dma source(%arg13 : memref<128x128xf32, #tpu.memory_space<vmem>>) target(%dma_start3A_179 : memref<10000x128xf32, #tpu.memory_space<vmem_shared>>) offsets(%arg11 : memref<128xi32, #tpu.memory_space<vmem>>) semaphore(%arg21 : memref<!tpu.dma_semaphore, #tpu.memory_space<semaphore_mem>>) {add = true}
        %add3A_180 = arith.constant 32 : i32
        %add3A_181 = arith.addi %add3A_97, %add3A_180 : i32
        %lt3A_182 = arith.constant 2500 : i32
        %lt3A_183 = arith.cmpi slt, %add3A_181, %lt3A_182 : i32
        %convert_element_type3A_184 = arith.extui %lt3A_183 : i1 to i32
        %cond3A_185 = arith.constant 0 : i32
        %cond3A_186 = arith.cmpi ne, %convert_element_type3A_184, %cond3A_185 : i32
        scf.if %cond3A_186 {
          %add3A_187 = arith.constant 32 : i32
          %add3A_188 = arith.addi %add3A_97, %add3A_187 : i32
          %mul3A_189 = arith.constant 320000 : i32
          %mul3A_190 = arith.muli %arg0, %mul3A_189 : i32
          %mul3A_191 = arith.constant 128 : i32
          %mul3A_192 = arith.muli %add3A_188, %mul3A_191 : i32
          %add3A_193 = arith.addi %mul3A_190, %mul3A_192 : i32
          %dma_start3A_194 = tpu.memref_slice %arg3[%add3A_193] : memref<640000xi32, #tpu.memory_space<hbm>> -> memref<128xi32, #tpu.memory_space<hbm>>
          %dma_start3A_195 = tpu.memref_slice %arg3[%add3A_193] : memref<640000xi32, #tpu.memory_space<hbm>> -> memref<128xi32, #tpu.memory_space<hbm>>
          tpu.enqueue_dma source(%dma_start3A_195 : memref<128xi32, #tpu.memory_space<hbm>>) target(%arg8 : memref<128xi32, #tpu.memory_space<vmem>>) target_semaphore(%arg19 : memref<!tpu.dma_semaphore, #tpu.memory_space<semaphore_mem>>)
          %dma_start3A_196 = tpu.memref_slice %arg4[%add3A_193] : memref<640000xi32, #tpu.memory_space<hbm>> -> memref<128xi32, #tpu.memory_space<hbm>>
          %dma_start3A_197 = tpu.memref_slice %arg4[%add3A_193] : memref<640000xi32, #tpu.memory_space<hbm>> -> memref<128xi32, #tpu.memory_space<hbm>>
          tpu.enqueue_dma source(%dma_start3A_197 : memref<128xi32, #tpu.memory_space<hbm>>) target(%arg9 : memref<128xi32, #tpu.memory_space<vmem>>) target_semaphore(%arg19 : memref<!tpu.dma_semaphore, #tpu.memory_space<semaphore_mem>>)
        } else {
        }
      } else {
      }
    }
    %scan3A_52 = arith.constant 79 : i32
    %add3A_53 = arith.constant 2512 : i32
    %add3A_54 = arith.addi %add3A_53, %arg1 : i32
    %lt3A_55 = arith.constant 2500 : i32
    %lt3A_56 = arith.cmpi slt, %add3A_54, %lt3A_55 : i32
    %convert_element_type3A_57 = arith.extui %lt3A_56 : i1 to i32
    %cond3A_58 = arith.constant 0 : i32
    %cond3A_59 = arith.cmpi ne, %convert_element_type3A_57, %cond3A_58 : i32
    scf.if %cond3A_59 {
      %dma_wait3A_66 = arith.constant 0 : i32
      %dma_wait3A_67 = arith.constant 0 : i32
      %dma_wait3A_68 = tpu.memref_slice %arg15[%dma_wait3A_66, %dma_wait3A_67] : memref<10000x128xf32, #tpu.memory_space<vmem_shared>> -> memref<10000x128xf32, #tpu.memory_space<vmem_shared>>
      tpu.wait_indirect_dma semaphore(%arg21 : memref<!tpu.dma_semaphore, #tpu.memory_space<semaphore_mem>>) src(%arg13 : memref<128x128xf32, #tpu.memory_space<vmem>>) dst(%dma_wait3A_68 : memref<10000x128xf32, #tpu.memory_space<vmem_shared>>)
    } else {
    }
    %barrier3A_60 = arith.constant 0 : index
    tpu.barrier barrier_id(%barrier3A_60)
    "tpu.region"() ({
      %run_scoped3A = tpu.sem_alloc : memref<!tpu.dma_semaphore, #tpu.memory_space<semaphore_mem>>
      %dma_start3A_66 = arith.constant 0 : i32
      %dma_start3A_67 = tpu.memref_slice %arg5[%arg0, %add3A, %dma_start3A_66] : memref<2x10000x128xf32, #tpu.memory_space<hbm>> -> memref<1x624x128xf32, #tpu.memory_space<hbm>>
      %dma_start3A_68 = tpu.memref_squeeze %dma_start3A_67 : memref<1x624x128xf32, #tpu.memory_space<hbm>> -> memref<624x128xf32, #tpu.memory_space<hbm>>
      %dma_start3A_69 = arith.constant 0 : i32
      %dma_start3A_70 = tpu.memref_slice %arg15[%add3A, %dma_start3A_69] : memref<10000x128xf32, #tpu.memory_space<vmem_shared>> -> memref<624x128xf32, #tpu.memory_space<vmem_shared>>
      tpu.enqueue_dma source(%dma_start3A_70 : memref<624x128xf32, #tpu.memory_space<vmem_shared>>) target(%dma_start3A_68 : memref<624x128xf32, #tpu.memory_space<hbm>>) target_semaphore(%run_scoped3A : memref<!tpu.dma_semaphore, #tpu.memory_space<semaphore_mem>>)
      %dma_wait3A_71 = arith.constant 0 : i32
      %dma_wait3A_72 = tpu.memref_slice %arg5[%arg0, %add3A, %dma_wait3A_71] : memref<2x10000x128xf32, #tpu.memory_space<hbm>> -> memref<1x624x128xf32, #tpu.memory_space<hbm>>
      %dma_wait3A_73 = tpu.memref_squeeze %dma_wait3A_72 : memref<1x624x128xf32, #tpu.memory_space<hbm>> -> memref<624x128xf32, #tpu.memory_space<hbm>>
      %dma_wait3A_74 = arith.constant 0 : i32
      %dma_wait3A_75 = tpu.memref_slice %arg15[%add3A, %dma_wait3A_74] : memref<10000x128xf32, #tpu.memory_space<vmem_shared>> -> memref<624x128xf32, #tpu.memory_space<vmem_shared>>
      tpu.wait_dma2 semaphore(%run_scoped3A : memref<!tpu.dma_semaphore, #tpu.memory_space<semaphore_mem>>) src(%dma_wait3A_75 : memref<624x128xf32, #tpu.memory_space<vmem_shared>>) dst(%dma_wait3A_73 : memref<624x128xf32, #tpu.memory_space<hbm>>)
      tpu.yield
    }) : () -> ()
    %lt3A_61 = arith.constant 2 : i32
    %lt3A_62 = arith.cmpi slt, %arg1, %lt3A_61 : i32
    %convert_element_type3A_63 = arith.extui %lt3A_62 : i1 to i32
    %cond3A_64 = arith.constant 0 : i32
    %cond3A_65 = arith.cmpi ne, %convert_element_type3A_63, %cond3A_64 : i32
    scf.if %cond3A_65 {
      %add3A_66 = arith.constant 624 : i32
      %add3A_67 = arith.addi %add3A, %add3A_66 : i32
      %add3A_68 = arith.constant 624 : i32
      %add3A_69 = arith.addi %add3A, %add3A_68 : i32
      "tpu.region"() ({
        %run_scoped3A = tpu.sem_alloc : memref<!tpu.dma_semaphore, #tpu.memory_space<semaphore_mem>>
        %dma_start3A_70 = arith.constant 0 : i32
        %dma_start3A_71 = tpu.memref_slice %arg5[%arg0, %add3A_69, %dma_start3A_70] : memref<2x10000x128xf32, #tpu.memory_space<hbm>> -> memref<1x8x128xf32, #tpu.memory_space<hbm>>
        %dma_start3A_72 = tpu.memref_squeeze %dma_start3A_71 : memref<1x8x128xf32, #tpu.memory_space<hbm>> -> memref<8x128xf32, #tpu.memory_space<hbm>>
        %dma_start3A_73 = arith.constant 0 : i32
        %dma_start3A_74 = tpu.memref_slice %arg15[%add3A_67, %dma_start3A_73] : memref<10000x128xf32, #tpu.memory_space<vmem_shared>> -> memref<8x128xf32, #tpu.memory_space<vmem_shared>>
        tpu.enqueue_dma source(%dma_start3A_74 : memref<8x128xf32, #tpu.memory_space<vmem_shared>>) target(%dma_start3A_72 : memref<8x128xf32, #tpu.memory_space<hbm>>) target_semaphore(%run_scoped3A : memref<!tpu.dma_semaphore, #tpu.memory_space<semaphore_mem>>)
        %dma_wait3A_75 = arith.constant 0 : i32
        %dma_wait3A_76 = tpu.memref_slice %arg5[%arg0, %add3A_69, %dma_wait3A_75] : memref<2x10000x128xf32, #tpu.memory_space<hbm>> -> memref<1x8x128xf32, #tpu.memory_space<hbm>>
        %dma_wait3A_77 = tpu.memref_squeeze %dma_wait3A_76 : memref<1x8x128xf32, #tpu.memory_space<hbm>> -> memref<8x128xf32, #tpu.memory_space<hbm>>
        %dma_wait3A_78 = arith.constant 0 : i32
        %dma_wait3A_79 = tpu.memref_slice %arg15[%add3A_67, %dma_wait3A_78] : memref<10000x128xf32, #tpu.memory_space<vmem_shared>> -> memref<8x128xf32, #tpu.memory_space<vmem_shared>>
        tpu.wait_dma2 semaphore(%run_scoped3A : memref<!tpu.dma_semaphore, #tpu.memory_space<semaphore_mem>>) src(%dma_wait3A_79 : memref<8x128xf32, #tpu.memory_space<vmem_shared>>) dst(%dma_wait3A_77 : memref<8x128xf32, #tpu.memory_space<hbm>>)
        tpu.yield
      }) : () -> ()
    } else {
    }
    return
  }
}

module attributes {stable_mosaic.version = 14 : i64} {
  func.func @dense_tail_tc(%arg0: memref<10000x128xf32, #tpu.memory_space<vmem>>, %arg1: memref<10000x128xf32, #tpu.memory_space<vmem>>, %arg2: memref<10000x128xf32, #tpu.memory_space<vmem>>, %arg3: memref<128x128xf32, #tpu.memory_space<vmem>>, %arg4: memref<128x128xf32, #tpu.memory_space<vmem>>, %arg5: memref<1x128xf32, #tpu.memory_space<vmem>>, %arg6: memref<1x128xf32, #tpu.memory_space<vmem>>, %arg7: memref<1x128xf32, #tpu.memory_space<vmem>>, %arg8: memref<128x384xf32, #tpu.memory_space<vmem>>, %arg9: memref<128x384xf32, #tpu.memory_space<vmem>>, %arg10: memref<2x384xf32, #tpu.memory_space<vmem>>, %arg11: memref<10000x128xf32, #tpu.memory_space<vmem>>) attributes {dimension_semantics = [], scalar_prefetch = 0 : i64, scratch_operands = 0 : i64, tpu.core_type = #tpu.core_type<tc>} {
    %get3A = arith.constant 0 : index
    %get3A_0 = arith.constant 0 : index
    %get3A_1 = vector.load %arg0[%get3A, %get3A_0] : memref<10000x128xf32, #tpu.memory_space<vmem>>, vector<10000x128xf32>
    %get3A_2 = arith.constant 0 : index
    %get3A_3 = arith.constant 0 : index
    %get3A_4 = vector.load %arg1[%get3A_2, %get3A_3] : memref<10000x128xf32, #tpu.memory_space<vmem>>, vector<10000x128xf32>
    %get3A_5 = arith.constant 0 : index
    %get3A_6 = arith.constant 0 : index
    %get3A_7 = vector.load %arg3[%get3A_5, %get3A_6] : memref<128x128xf32, #tpu.memory_space<vmem>>, vector<128x128xf32>
    %dot_general3A = arith.constant dense<0.000000e+00> : vector<10000x128xf32>
    %dot_general3A_8 = tpu.matmul %get3A_4, %get3A_7, %dot_general3A {dimension_numbers = #tpu.dot_dimension_numbers<[1], [0], [0], [1], [0, 0, 1, 1], [], []>, transpose_lhs_hint = false} : vector<10000x128xf32>, vector<128x128xf32>, vector<10000x128xf32> -> vector<10000x128xf32>
    %get3A_9 = arith.constant 0 : index
    %get3A_10 = arith.constant 0 : index
    %get3A_11 = vector.load %arg2[%get3A_9, %get3A_10] : memref<10000x128xf32, #tpu.memory_space<vmem>>, vector<10000x128xf32>
    %get3A_12 = arith.constant 0 : index
    %get3A_13 = arith.constant 0 : index
    %get3A_14 = vector.load %arg4[%get3A_12, %get3A_13] : memref<128x128xf32, #tpu.memory_space<vmem>>, vector<128x128xf32>
    %dot_general3A_15 = arith.constant dense<0.000000e+00> : vector<10000x128xf32>
    %dot_general3A_16 = tpu.matmul %get3A_11, %get3A_14, %dot_general3A_15 {dimension_numbers = #tpu.dot_dimension_numbers<[1], [0], [0], [1], [0, 0, 1, 1], [], []>, transpose_lhs_hint = false} : vector<10000x128xf32>, vector<128x128xf32>, vector<10000x128xf32> -> vector<10000x128xf32>
    %add3A = arith.addf %dot_general3A_8, %dot_general3A_16 : vector<10000x128xf32>
    %get3A_17 = arith.constant 0 : index
    %get3A_18 = arith.constant 0 : index
    %get3A_19 = vector.load %arg5[%get3A_17, %get3A_18] : memref<1x128xf32, #tpu.memory_space<vmem>>, vector<1x128xf32>
    %add3A_20 = vector.broadcast %get3A_19 : vector<1x128xf32> to vector<10000x128xf32>
    %add3A_21 = arith.addf %add3A, %add3A_20 : vector<10000x128xf32>
    %add3A_22 = arith.addf %add3A_21, %get3A_1 : vector<10000x128xf32>
    %max3A = arith.constant 0.000000e+00 : f32
    %max3A_23 = vector.broadcast %max3A : f32 to vector<10000x128xf32>
    %max3A_24 = arith.maximumf %add3A_22, %max3A_23 : vector<10000x128xf32>
    %reduce_sum3A = arith.constant dense<0.000000e+00> : vector<128xf32>
    %reduce_sum3A_25 = vector.multi_reduction <add>, %max3A_24, %reduce_sum3A [0] : vector<10000x128xf32> to vector<128xf32>
    %broadcast_in_dim3A = vector.shape_cast %reduce_sum3A_25 : vector<128xf32> to vector<1x128xf32>
    %div3A = arith.constant 1.000000e+04 : f32
    %div3A_26 = vector.broadcast %div3A : f32 to vector<1x128xf32>
    %div3A_27 = arith.divf %broadcast_in_dim3A, %div3A_26 : vector<1x128xf32>
    %sub3A = vector.broadcast %div3A_27 : vector<1x128xf32> to vector<10000x128xf32>
    %sub3A_28 = arith.subf %max3A_24, %sub3A : vector<10000x128xf32>
    %sub3A_29 = vector.broadcast %div3A_27 : vector<1x128xf32> to vector<10000x128xf32>
    %sub3A_30 = arith.subf %max3A_24, %sub3A_29 : vector<10000x128xf32>
    %mul3A = arith.mulf %sub3A_28, %sub3A_30 : vector<10000x128xf32>
    %reduce_sum3A_31 = arith.constant dense<0.000000e+00> : vector<128xf32>
    %reduce_sum3A_32 = vector.multi_reduction <add>, %mul3A, %reduce_sum3A_31 [0] : vector<10000x128xf32> to vector<128xf32>
    %broadcast_in_dim3A_33 = vector.shape_cast %reduce_sum3A_32 : vector<128xf32> to vector<1x128xf32>
    %div3A_34 = arith.constant 1.000000e+04 : f32
    %div3A_35 = vector.broadcast %div3A_34 : f32 to vector<1x128xf32>
    %div3A_36 = arith.divf %broadcast_in_dim3A_33, %div3A_35 : vector<1x128xf32>
    %sub3A_37 = vector.broadcast %div3A_27 : vector<1x128xf32> to vector<10000x128xf32>
    %sub3A_38 = arith.subf %max3A_24, %sub3A_37 : vector<10000x128xf32>
    %add3A_39 = arith.constant 1.000000e-03 : f32
    %add3A_40 = vector.broadcast %add3A_39 : f32 to vector<1x128xf32>
    %add3A_41 = arith.addf %div3A_36, %add3A_40 : vector<1x128xf32>
    %sqrt3A = math.sqrt %add3A_41 : vector<1x128xf32>
    %div3A_42 = vector.broadcast %sqrt3A : vector<1x128xf32> to vector<10000x128xf32>
    %div3A_43 = arith.divf %sub3A_38, %div3A_42 : vector<10000x128xf32>
    %get3A_44 = arith.constant 0 : index
    %get3A_45 = arith.constant 0 : index
    %get3A_46 = vector.load %arg6[%get3A_44, %get3A_45] : memref<1x128xf32, #tpu.memory_space<vmem>>, vector<1x128xf32>
    %mul3A_47 = vector.broadcast %get3A_46 : vector<1x128xf32> to vector<10000x128xf32>
    %mul3A_48 = arith.mulf %div3A_43, %mul3A_47 : vector<10000x128xf32>
    %get3A_49 = arith.constant 0 : index
    %get3A_50 = arith.constant 0 : index
    %get3A_51 = vector.load %arg7[%get3A_49, %get3A_50] : memref<1x128xf32, #tpu.memory_space<vmem>>, vector<1x128xf32>
    %add3A_52 = vector.broadcast %get3A_51 : vector<1x128xf32> to vector<10000x128xf32>
    %add3A_53 = arith.addf %mul3A_48, %add3A_52 : vector<10000x128xf32>
    %get3A_54 = arith.constant 0 : index
    %get3A_55 = arith.constant 0 : index
    %get3A_56 = vector.load %arg8[%get3A_54, %get3A_55] : memref<128x384xf32, #tpu.memory_space<vmem>>, vector<128x384xf32>
    %dot_general3A_57 = arith.constant dense<0.000000e+00> : vector<10000x384xf32>
    %dot_general3A_58 = tpu.matmul %add3A_53, %get3A_56, %dot_general3A_57 {dimension_numbers = #tpu.dot_dimension_numbers<[1], [0], [0], [1], [0, 0, 1, 1], [], []>, transpose_lhs_hint = false} : vector<10000x128xf32>, vector<128x384xf32>, vector<10000x384xf32> -> vector<10000x384xf32>
    %get3A_59 = arith.constant 0 : index
    %get3A_60 = arith.constant 0 : index
    %get3A_61 = vector.load %arg10[%get3A_59, %get3A_60] : memref<2x384xf32, #tpu.memory_space<vmem>>, vector<1x384xf32>
    %add3A_62 = vector.broadcast %get3A_61 : vector<1x384xf32> to vector<10000x384xf32>
    %add3A_63 = arith.addf %dot_general3A_58, %add3A_62 : vector<10000x384xf32>
    %get3A_64 = arith.constant 0 : index
    %get3A_65 = arith.constant 0 : index
    %get3A_66 = vector.load %arg9[%get3A_64, %get3A_65] : memref<128x384xf32, #tpu.memory_space<vmem>>, vector<128x384xf32>
    %dot_general3A_67 = arith.constant dense<0.000000e+00> : vector<10000x384xf32>
    %dot_general3A_68 = tpu.matmul %get3A_1, %get3A_66, %dot_general3A_67 {dimension_numbers = #tpu.dot_dimension_numbers<[1], [0], [0], [1], [0, 0, 1, 1], [], []>, transpose_lhs_hint = false} : vector<10000x128xf32>, vector<128x384xf32>, vector<10000x384xf32> -> vector<10000x384xf32>
    %get3A_69 = arith.constant 1 : index
    %get3A_70 = arith.constant 0 : index
    %get3A_71 = vector.load %arg10[%get3A_69, %get3A_70] : memref<2x384xf32, #tpu.memory_space<vmem>>, vector<1x384xf32>
    %add3A_72 = vector.broadcast %get3A_71 : vector<1x384xf32> to vector<10000x384xf32>
    %add3A_73 = arith.addf %dot_general3A_68, %add3A_72 : vector<10000x384xf32>
    %slice3A = vector.extract_strided_slice %add3A_63 {offsets = [0, 0], sizes = [10000, 128], strides = [1, 1]} : vector<10000x384xf32> to vector<10000x128xf32>
    %slice3A_74 = vector.extract_strided_slice %add3A_73 {offsets = [0, 0], sizes = [10000, 128], strides = [1, 1]} : vector<10000x384xf32> to vector<10000x128xf32>
    %add3A_75 = arith.addf %slice3A, %slice3A_74 : vector<10000x128xf32>
    %logistic3A = arith.negf %add3A_75 : vector<10000x128xf32>
    %logistic3A_76 = math.exp %logistic3A : vector<10000x128xf32>
    %logistic3A_77 = arith.constant 1.000000e+00 : f32
    %logistic3A_78 = vector.broadcast %logistic3A_77 : f32 to vector<10000x128xf32>
    %logistic3A_79 = arith.addf %logistic3A_78, %logistic3A_76 : vector<10000x128xf32>
    %logistic3A_80 = arith.divf %logistic3A_78, %logistic3A_79 : vector<10000x128xf32>
    %slice3A_81 = vector.extract_strided_slice %add3A_63 {offsets = [0, 128], sizes = [10000, 128], strides = [1, 1]} : vector<10000x384xf32> to vector<10000x128xf32>
    %slice3A_82 = vector.extract_strided_slice %add3A_73 {offsets = [0, 128], sizes = [10000, 128], strides = [1, 1]} : vector<10000x384xf32> to vector<10000x128xf32>
    %add3A_83 = arith.addf %slice3A_81, %slice3A_82 : vector<10000x128xf32>
    %logistic3A_84 = arith.negf %add3A_83 : vector<10000x128xf32>
    %logistic3A_85 = math.exp %logistic3A_84 : vector<10000x128xf32>
    %logistic3A_86 = arith.constant 1.000000e+00 : f32
    %logistic3A_87 = vector.broadcast %logistic3A_86 : f32 to vector<10000x128xf32>
    %logistic3A_88 = arith.addf %logistic3A_87, %logistic3A_85 : vector<10000x128xf32>
    %logistic3A_89 = arith.divf %logistic3A_87, %logistic3A_88 : vector<10000x128xf32>
    %slice3A_90 = vector.extract_strided_slice %add3A_63 {offsets = [0, 256], sizes = [10000, 128], strides = [1, 1]} : vector<10000x384xf32> to vector<10000x128xf32>
    %slice3A_91 = vector.extract_strided_slice %add3A_73 {offsets = [0, 256], sizes = [10000, 128], strides = [1, 1]} : vector<10000x384xf32> to vector<10000x128xf32>
    %mul3A_92 = arith.mulf %logistic3A_89, %slice3A_91 : vector<10000x128xf32>
    %add3A_93 = arith.addf %slice3A_90, %mul3A_92 : vector<10000x128xf32>
    %tanh3A = math.tanh %add3A_93 : vector<10000x128xf32>
    %mul3A_94 = arith.mulf %logistic3A_80, %get3A_1 : vector<10000x128xf32>
    %sub3A_95 = arith.constant 1.000000e+00 : f32
    %sub3A_96 = vector.broadcast %sub3A_95 : f32 to vector<10000x128xf32>
    %sub3A_97 = arith.subf %sub3A_96, %logistic3A_80 : vector<10000x128xf32>
    %mul3A_98 = arith.mulf %sub3A_97, %tanh3A : vector<10000x128xf32>
    %add3A_99 = arith.addf %mul3A_94, %mul3A_98 : vector<10000x128xf32>
    %swap3A = arith.constant 0 : index
    %swap3A_100 = arith.constant 0 : index
    %swap3A_101 = vector.load %arg11[%swap3A, %swap3A_100] : memref<10000x128xf32, #tpu.memory_space<vmem>>, vector<10000x128xf32>
    tpu.vector_store %arg11[%swap3A, %swap3A_100], %add3A_99 {strides = array<i32>} : memref<10000x128xf32, #tpu.memory_space<vmem>>, vector<10000x128xf32>,
    return
  }
}

</mosaic_0001>

<sc_bundles>
// kernel: segment_sums_sc.3.cloned.1.call-start
scs
__scs_entry_jumppad:
0x0: {  	(pc) =	sbr.rel $0x88, $3  }
0x1: {  	(tag) =	ssettag $0x0;
	lr =	simm.s32 $0x1  }
0x2: {  	[smem:$0x3F96] =	sst lr;
	_ =	strace $0xD0000000  }
0x3: {  	_ = 	snop  }
0x4: {  	_ = 	snop  }
0x5: {  	_ = 	snop  }
0x6: {  	_ = 	snop  }
0x7: {  	_ = 	snop  }
__scs_overlays_trampoline_lowered:
0x8: {  	[smem:$0x3FA5] =	sst s0  }
0x9: {  	[smem:$0x3FA6] =	sst s1  }
0xa: {  	[smem:$0x3FA7] =	sst s2  }
0xb: {  	[smem:$0x3FA8] =	sst s3  }
0xc: {  	[smem:$0x3FA9] =	sst s4  }
0xd: {  	[smem:$0x3FAA] =	sst s5  }
0xe: {  	[smem:$0x3FAB] =	sst s6  }
0xf: {  	[smem:$0x3FAC] =	sst s7  }
0x10: {  	[smem:$0x3FAD] =	sst s8  }
0x11: {  	[smem:$0x3FAE] =	sst s9;
	s0 =	simm.s32 @!p0 $0x0  }
0x12: {  	s1 =	sld [smem:$0x3F94];
	s0 =	simm.s32 @p0 $0x1  }
0x13: {  	[smem:$0x3FAF] =	sst s0;
	s0 =	simm.s32 @!p1 $0x0  }
0x14: {  	s2 =	sld [smem:$0x3F93];
	s0 =	simm.s32 @p1 $0x1  }
0x15: {  	[smem:$0x3FB0] =	sst s0;
	s0 =	simm.s32 @!p2 $0x0  }
0x16: {  	s3 =	sld [smem:$0x3FDB];
	s0 =	simm.s32 @p2 $0x1  }
0x17: {  	s4 =	simm.s32 $0x1BF5;
	[smem:$0x3FB2] =	sst s0  }
0x18: {  	s0 =	sld [smem:$0x3F95];
	_ =	swait.ge [sflag:s4], $0x0  }
0x19: {  	s7 =	sld [smem:$0x3F96]  }
0x1a: {  	s8 =	sadd.s32 $0xFFFFE003, lr  }
0x1b: {  	s9 =	sadd.s32 $0xFFFFFEF7, lr;
	s5 =	simm.s32 $0xFFFFFFFF;
	p2 =	slt.u32 s8, $0xFFFFF086  }
0x1c: {  	p1 =	slt.u32 s9, $0xF7A;
	s5 =	simm.s32 @!p2 $0x0  }
0x1d: {  	s5 =	simm.s32 @p1 $0x1;
	p0 =	seq.s32 s7, s2  }
0x1e: {  	s7 =	smul.u32 @!p0 $0xF7A, s2;
	p2 =	seq.s32 @!p0 s5, $0x0  }
0x1f: {  	s9 =	smul.u32 $0xF7A, s1;
	s8 =	simm.s32 @!p0 $0x1BF5;
	p2 =	por !p2, p0  }
0x20: {  	[sflag:s8] =	ssyncset.s32 @!p0 $0xFFFFF086;
	s6 =	sadd.s32 @!p0 s3, s7;
	s7 =	simm.s32 @!p0 $0x108  }
0x21: {  	s3 =	sadd.s32 s3, s9;
	s6 =	sadd.s32 @!p0 $0x88, s6;
	s7 =	simm.s32 @p2 $0x1082  }
0x22: {  	[simem:s7], [sflag:s8] =	dma.local @!p0 [hbm:s6], $0xF7A  }
0x23: {  	s9 =	sor.u32 $0xD0000000, s2;
	s6 =	simm.s32 $0x108;
	_ =	swait.ge @!p0 [sflag:s8], $0x0  }
0x24: {  	s3 =	sadd.s32 $0x88, s3;
	s6 =	simm.s32 @!p1 $0x1082;
	[sflag:s4] =	ssyncset.s32 $0xFFFFF086  }
0x25: {  	[simem:s6], [sflag:s4] =	dma.local [hbm:s3], $0xF7A  }
0x26: {  	[smem:$0x3F96] =	sst s1;
	(tag) =	ssettag s2;
	_ =	strace s9  }
0x27: {  	s1 =	sld [smem:$0x3FA6]  }
0x28: {  	s2 =	sld [smem:$0x3FA7]  }
0x29: {  	s4 =	sld [smem:$0x3FA9]  }
0x2a: {  	p0 =	seq.s32 s5, $0x0;
	s5 =	sld [smem:$0x3FAA]  }
0x2b: {  	s6 =	sld [smem:$0x3FAB]  }
0x2c: {  	s7 =	sld [smem:$0x3FAC]  }
0x2d: {  	s3 =	simm.s32 $0x108;
	s8 =	sld [smem:$0x3FAD]  }
0x2e: {  	s3 =	simm.s32 @!p0 $0x1082;
	s9 =	sld [smem:$0x3FAE]  }
0x2f: {  	lr =	sadd.s32 s0, s3;
	s0 =	sld [smem:$0x3FA5]  }
0x30: {  	s3 =	sld [smem:$0x3FA8]  }
0x31: {  	[smem:$0x3FB1] =	sst s10  }
0x32: {  	s10 =	sld [smem:$0x3FAF];
	_ =	sdelay $0x3  }
0x33: {  	p0 =	seq.s32 s10, $0x1;
	s10 =	sld [smem:$0x3FB1];
	_ =	sdelay $0x3  }
0x34: {  	[smem:$0x3FB1] =	sst s10  }
0x35: {  	s10 =	sld [smem:$0x3FB0];
	_ =	sdelay $0x3  }
0x36: {  	p1 =	seq.s32 s10, $0x1;
	s10 =	sld [smem:$0x3FB1];
	_ =	sdelay $0x3  }
0x37: {  	[smem:$0x3FB1] =	sst s10  }
0x38: {  	s10 =	sld [smem:$0x3FB2]  }
0x39: {  	_ = 	snop;
	(pc) =	sbr.ind lr, $3  }
0x3a: {  	_ = 	snop  }
0x3b: {  	_ = 	snop  }
0x3c: {  	p2 =	seq.s32 s10, $0x1;
	s10 =	sld [smem:$0x3FB1]  }
0x3d: {  	_ =	shalt  }
0x3e: {  	_ =	shalt  }
0x3f: {  	_ =	shalt  }
0x40: {  	_ =	shalt  }
0x41: {  	_ =	shalt  }
0x42: {  	_ =	shalt  }
0x43: {  	_ =	shalt  }
0x44: {  	_ =	shalt  }
0x45: {  	_ =	shalt  }
0x46: {  	_ =	shalt  }
0x47: {  	_ =	shalt  }
0x48: {  	_ =	shalt  }
0x49: {  	_ =	shalt  }
0x4a: {  	_ =	shalt  }
0x4b: {  	_ =	shalt  }
0x4c: {  	_ =	shalt  }
0x4d: {  	_ =	shalt  }
0x4e: {  	_ =	shalt  }
0x4f: {  	_ =	shalt  }
0x50: {  	_ =	shalt  }
0x51: {  	_ =	shalt  }
0x52: {  	_ =	shalt  }
0x53: {  	_ =	shalt  }
0x54: {  	_ =	shalt  }
0x55: {  	_ =	shalt  }
0x56: {  	_ =	shalt  }
0x57: {  	_ =	shalt  }
0x58: {  	_ =	shalt  }
0x59: {  	_ =	shalt  }
0x5a: {  	_ =	shalt  }
0x5b: {  	_ =	shalt  }
0x5c: {  	_ =	shalt  }
0x5d: {  	_ =	shalt  }
0x5e: {  	_ =	shalt  }
0x5f: {  	_ =	shalt  }
0x60: {  	_ =	shalt  }
0x61: {  	_ =	shalt  }
0x62: {  	_ =	shalt  }
0x63: {  	_ =	shalt  }
0x64: {  	_ =	shalt  }
0x65: {  	_ =	shalt  }
0x66: {  	_ =	shalt  }
0x67: {  	_ =	shalt  }
0x68: {  	_ =	shalt  }
0x69: {  	_ =	shalt  }
0x6a: {  	_ =	shalt  }
0x6b: {  	_ =	shalt  }
0x6c: {  	_ =	shalt  }
0x6d: {  	_ =	shalt  }
0x6e: {  	_ =	shalt  }
0x6f: {  	_ =	shalt  }
0x70: {  	_ =	shalt  }
0x71: {  	_ =	shalt  }
0x72: {  	_ =	shalt  }
0x73: {  	_ =	shalt  }
0x74: {  	_ =	shalt  }
0x75: {  	_ =	shalt  }
0x76: {  	_ =	shalt  }
0x77: {  	_ =	shalt  }
0x78: {  	_ =	shalt  }
0x79: {  	_ =	shalt  }
0x7a: {  	_ =	shalt  }
0x7b: {  	_ =	shalt  }
0x7c: {  	_ =	shalt  }
0x7d: {  	_ =	shalt  }
0x7e: {  	_ =	shalt  }
0x7f: {  	_ =	shalt  }
0x80: {  	_ =	shalt  }
0x81: {  	_ =	shalt  }
0x82: {  	_ =	shalt  }
0x83: {  	_ =	shalt  }
0x84: {  	_ =	shalt  }
0x85: {  	_ =	shalt  }
0x86: {  	_ =	shalt  }
0x87: {  	_ =	shalt  }
.Lfunc_end0:
.L_simem_size_0:
called_computation_lowered:
.L_overlay_start_0:
0x88: {  	s2 =	sld [smem:$0x3FD9]  }
0x89: {  	s3 =	sld [smem:$0x3FFE];
	_ =	sdelay $0x1  }
0x8a: {  	s1 =	srdreg.scid  }
0x8b: {  	s0 =	sand.u32 $0x1, s1  }
0x8c: {  	s17 =	sshll.u32 s0, $0xA;
	s2 =	sadd.s32 s3, s2  }
0x8d: {  	s2 =	sadd.s32 s2, s17  }
0x8e: {  	[smem:$0x3FBD] =	sst s2  }
0x8f: {  	_ = 	snop  }
0x90: {  	s2 =	sld [smem:$0x3FC9]  }
0x91: {  	s18 =	sld [smem:$0x3FD0];
	(tm) =	ssettm $0x1  }
0x92: {  	s4 =	sld [smem:$0x3FFB];
	_ =	sdelay $0x3  }
0x93: {  	_ =	strace s4  }
0x94: {  	s4 =	sld [smem:$0x3FFC];
	_ =	sdelay $0x3  }
0x95: {  	_ =	strace s4  }
0x96: {  	s4 =	sld [smem:$0x3FFD];
	_ =	sdelay $0x3  }
0x97: {  	_ =	strace s4  }
0x98: {  	_ =	strace $0x8FFFFFFF  }
0x99: {  	s19 =	sld [smem:$0x3FDB];
	_ =	sdelay $0x1  }
0x9a: {  	s5 =	simm.s32 $_scs_section_size  }
0x9b: {  	s6 =	simm.s32 $_size__tile_overlayer_lowered;
	s7 =	simm.s32 $_tile_overlayer_lowered  }
0x9c: {  	s22 =	simm.s32 $0x1BFF;
	s21 =	sshll.u32 s7, $0x1;
	s4 =	sadd.s32 s5, s19  }
0x9d: {  	s8 =	simm.s32 $0x0;
	s20 =	sshll.u32 s6, $0x1;
	s6 =	sadd.s32 s21, s4  }
0x9e: {  	[timem:s8], [sflag:s22] =	dma.local [hbm:s6], s20  }
0x9f: {  	_ =	swait.ge [sflag:s22], s20  }
0xa0: {  	s5 =	ssub.s32 $0x0, s20;
	[sflag:s22] =	ssyncset.done $0x0  }
0xa1: {  	[sflag:s22] =	ssyncadd.s32 s5;
	_ =	sdelay $0x1  }
0xa2: {  	s23 =	simm.s32 $0x1B8B  }
0xa3: {  	_ =	swait.ge [sflag:s23], $0x1  }
0xa4: {  	[sflag:s23] =	ssyncset.done $0x0  }
0xa5: {  	s25 =	simm.s32 $0x1B8E;
	s24 =	sld [smem:$0x3FFE];
	[sflag:s23] =	ssyncadd.s32 $0xFFFFFFFF  }
0xa6: {  	s26 =	simm.s32 $execute0_lowered;
	[smem:$0x3FD2] =	sst s25  }
0xa7: {  	s6 =	sshll.u32 s26, $0x1;
	_ =	strace $0x80000046;
	[dreg:$0x1] =	wrdreg $0xFFFFFFFF  }
0xa8: {  	s28 =	simm.s32 $_size_execute0_lowered;
	s4 =	sadd.s32 s4, s6;
	[dreg:$0x0] =	wrdreg $0x0  }
0xa9: {  	s6 =	sshll.u32 s28, $0x1;
	[dreg:$0x2] =	wrdreg s4  }
0xaa: {  	[dreg:$0x3] =	wrdreg s6  }
0xab: {  	[dreg:$0x4] =	wrdreg $0xC0  }
0xac: {  	_ =	task [dreg:s8], $0x5FFFF  }
0xad: {  	[dreg:$0x1] =	wrdreg $0xFFFFFFFF  }
0xae: {  	[dreg:$0x0] =	wrdreg $0x60  }
0xaf: {  	[dreg:$0x2] =	wrdreg s2  }
0xb0: {  	[dreg:$0x3] =	wrdreg s18  }
0xb1: {  	[dreg:$0x4] =	wrdreg s24  }
0xb2: {  	[dreg:$0x5] =	wrdreg $0xB7000  }
0xb3: {  	[dreg:$0x6] =	wrdreg $0x9  }
0xb4: {  	_ =	task.clear_ibuf [dreg:s8], $0x7FFFF;
	_ =	strace $0x90000046  }
0xb5: {  	s29 =	simm.s32 $0x9;
	_ =	strace $0x80000048  }
0xb6: {  	_ =	swait.ge [sflag:s29], $0x1  }
0xb7: {  	[sflag:s29] =	ssyncadd.s32 $0xFFFFFFFF  }
0xb8: {  	_ =	strace $0x90000048  }
0xb9: {  	_ =	sfence  }
0xba: {  	s30 =	sld [smem:$0x0];
	_ =	sdelay $0x2  }
0xbb: {  	s31 =	sshll.u32 s1, $0xD;
	s1 =	sshrl.u32 s1, $0x2  }
0xbc: {  	s3 =	sand.u32 $0x4000, s31;
	s1 =	sadd.s32 s1, s30  }
0xbd: {  	s0 =	sor.u32 s3, s0;
	s1 =	sshll.u32 s1, $0x11  }
0xbe: {  	s0 =	sor.u32 s1, s0  }
0xbf: {  	s0 =	sadd.s32 $0x8F2B, s0  }
0xc0: {  	[sflag:s0] =	ssyncadd.remote.s32 $0x1  }
0xc1: {  	_ =	sfence.sel $0xFFFF  }
0xc2: {  	[dreg:$0x0] =	wrdreg $0xFFFFFFFF;
	(pc) =	sbr.abs _section_cstart, $3  }
0xc3: {  	[dreg:$0x1] =	wrdreg $0xFFFFFFFF  }
0xc4: {  	_ =	task.clear_ibuf [dreg:s8], $0x2FFFF;
	_ =	strace $0x9FFFFFFF  }
0xc5: {  	(tm) =	ssettm $0x7FFFFFFF  }
tec
execute0_lowered:
.L_overlay_start_1:
0x0: {  	(tag) =	ssettag $0x1  }
0x1: {  	s1 =	rddreg [dreg:$0x0]  }
0x2: {  	s2 =	rddreg [dreg:$0x1]  }
0x3: {  	s0 =	rddreg [dreg:$0x2]  }
0x4: {  	s3 =	rddreg [dreg:$0x3];
	s5 =	simm.s32 $0x0;
	s13 =	stileid.u32  }
0x5: {  	s4 =	srdreg.scid;
	s28 =	simm.s32 $0x80;
	s30 =	simm.s32 $0x180  }
0x6: {  	s31 =	simm.s32 $0x3;
	s29 =	simm.s32 $0x4300;
	[smem:$0x7FF] =	sst s5  }
0x7: {  	s6 =	sadd.s32 $0x1000, s0;
	s7 =	smul.u32 $0x270, s13;
	s8 =	smin.u32 s13, $0x2  }
0x8: {  	s0 =	sadd.s32 $0x14A00, s0;
	s4 =	sand.u32 $0x1, s4;
	s12 =	sshll.u32 s13, $0x7  }
0x9: {  	p0 =	sgt.u32 s13, $0x1;
	s13 =	simm.s32 $0x0;
	_ =	strace $0x80000047  }
0xa: {  	s8 =	sshll.u32 s8, $0x3;
	s9 =	ssub.s32 $0x2, s4;
	s14 =	smul.u32 $0x4E200, s4  }
0xb: {  	s4 =	smul.u32 $0x138800, s4;
	s7 =	sadd.s32 s7, s8;
	s10 =	sshrl.u32 s9, $0x1  }
0xc: {  	s11 =	sshll.u32 s7, $0x7;
	s9 =	ssub.s32 s9, s10;
	s8 =	sadd.s32 s12, s14  }
0xd: {  	s7 =	sadd.s32 s11, s3;
	s16 =	sshrl.u32 s8, $0x3;
	s18 =	sadd.s32 $0x800, s8  }
0xe: {  	s19 =	sadd.s32 s4, s11;
	s11 =	sadd.s32 $0x13800, s11;
	s21 =	smax.u32 s9, $0x1  }
0xf: {  	s24 =	sadd.s32 $0x1800, s8;
	s15 =	sadd.s32 $0x13800, s7;
	[dreg:$0xc] =	wrdreg s21  }
0x10: {  	s9 =	simm.s32 $0x200;
	s17 =	sadd.s32 s2, s16;
	[dreg:$0x5] =	wrdreg s15  }
0x11: {  	s10 =	sadd.s32 s6, s16;
	s12 =	sshrl.u32 s19, $0x3;
	[dreg:$0x6] =	wrdreg s17  }
0x12: {  	s4 =	sadd.s32 s4, s11;
	s22 =	sadd.s32 $0x3400, s7;
	[dreg:$0x7] =	wrdreg s10  }
0x13: {  	s23 =	sadd.s32 $0x6800, s7;
	s25 =	sadd.s32 $0x9C00, s7;
	[dreg:$0xd] =	wrdreg s22  }
0x14: {  	s26 =	sadd.s32 $0xD000, s7;
	s16 =	sadd.s32 $0x1000, s8;
	[dreg:$0xe] =	wrdreg s23  }
0x15: {  	s8 =	simm.s32 $0x1;
	s10 =	sshrl.u32 s18, $0x3;
	[dreg:$0xf] =	wrdreg s25  }
0x16: {  	s20 =	sadd.s32 s0, s12;
	s4 =	sshrl.u32 s4, $0x3;
	[dreg:$0x10] =	wrdreg s26  }
0x17: {  	s26 =	simm.s32 $0x7;
	s12 =	simm.s32 $0x280;
	s14 =	sadd.s32 s2, s10  }
0x18: {  	s10 =	sadd.s32 s6, s10;
	[dreg:$0xa] =	wrdreg s20;
	s0 =	sadd.s32 s0, s4  }
.Ltmp0:
0x19: {  	s4 =	sshrl.u32 s24, $0x3;
	[dreg:$0x8] =	wrdreg s14;
	(pc) =	sbr.rel .LBB2_1-.Ltmp0, $4  }
0x1a: {  	s20 =	sadd.s32 $0x10400, s7;
	s24 =	simm.s32 $0x8300;
	[dreg:$0x9] =	wrdreg s10  }
0x1b: {  	[dreg:$0xb] =	wrdreg s0;
	s0 =	sadd.s32 s11, s3;
	s21 =	sadd.s32 s4, s6  }
0x1c: {  	s22 =	sadd.s32 s4, s2;
	s4 =	simm.s32 $0x4;
	s10 =	simm.s32 $0x5  }
0x1d: {  	v0 =	vimm.f32 $0.0e+00;
	s11 =	simm.s32 $0x2;
	s25 =	sshrl.u32 @!p0 s0, $0x3;
	s0 =	simm.s32 $0x300  }
.LBB2_12:
0x1e: {  	s14 =	stileid.u32  }
0x1f: {  	[bflag:$0x0] =	sbarrier.arrive $0xFFFF;
	s14 =	sshll.u32 s14, $0x6  }
0x20: {  	s15 =	sshrl.u32 s7, $0x3;
	s17 =	rddreg [dreg:$0xa];
	s14 =	sor.u32 $0x1C07, s14  }
0x21: {  	[hbm:s17], [sflag:s14] =	dma.local [spmem:s15], $0x2700  }
0x22: {  	_ =	swait.ge [sflag:s26], $0x2700  }
0x23: {  	[sflag:s26] =	ssyncset.done $0x0  }
0x24: {  	s15 =	rddreg [dreg:$0xb];
	[sflag:s26] =	ssyncadd.s32 $0xFFFFD900  }
0x25: {  	[hbm:s15], [sflag:s14] =	dma.local @!p0 [spmem:s25], $0x80  }
0x26: {  	s14 =	simm.s32 @!p0 $0x7  }
0x27: {  	_ =	swait.ge @!p0 [sflag:s14], $0x80  }
0x28: {  	s13 =	sadd.s32 $0x1, s13;
	s23 =	rddreg [dreg:$0xc]  }
0x29: {  	p1 =	sne.s32 s13, s23  }
.Ltmp1:
0x2a: {  	_ = 	snop;
	(pc) =	sbr.rel @!p1 .LBB2_13-.Ltmp1, $3  }
0x2b: {  	_ =	sdelay $0x1  }
0x2c: {  	[sflag:s14] =	ssyncset.done @!p0 $0x0  }
0x2d: {  	[sflag:s14] =	ssyncadd.s32 @!p0 $0xFFFFFF80  }
.LBB2_1:
0x2e: {  	s14 =	sand.u32 $0xFE00, s5  }
0x2f: {  	s15 =	sand.u32 $0x70, s5;
	s23 =	sshrl.u32 s14, $0x2  }
0x30: {  	s14 =	simm.s32 $0x40;
	s23 =	sor.u32 s15, s23;
	s15 =	simm.s32 $0x0  }
.LBB2_2:
0x31: {  	p1 =	sne.s32 s14, $0xCFC0  }
0x32: {  	[tilespmem:s23+$0x8300] =	vst v0;
	s15 =	sadd.s32 $0x10, s15;
	s23 =	smov.u32 s14;
	s14 =	sadd.s32 $0x40, s14  }
.Ltmp2:
0x33: {  	(pc) =	sbr.rel @p1 .LBB2_2-.Ltmp2, $4  }
0x34: {  	_ = 	snop  }
0x35: {  	s23 =	sand.u32 $0xFE00, s23  }
0x36: {  	s17 =	sand.u32 $0x70, s15;
	s23 =	sshrl.u32 s23, $0x2  }
0x37: {  	s23 =	sor.u32 s17, s23  }
0x38: {  	[tilespmem:s23+$0x8300] =	vst v0  }
0x39: {  	[spmem:s7] =	stream.linear.scatter [tilespmem:s24], [sflag:$0x7], $0x3400, $0x38;
	[tilespmem:$0x1EF80] =	vst v63  }
0x3a: {  	_ =	swait.ge [sflag:s26], $0x3400  }
0x3b: {  	[sflag:s26] =	ssyncset.done $0x0  }
0x3c: {  	s14 =	rddreg [dreg:$0xd];
	[sflag:s26] =	ssyncadd.s32 $0xFFFFCC00  }
0x3d: {  	[spmem:s14] =	stream.linear.scatter [tilespmem:s24], [sflag:$0x7], $0x3400, $0x38;
	[tilespmem:$0x1EF80] =	vst v63  }
0x3e: {  	_ =	swait.ge [sflag:s26], $0x3400  }
0x3f: {  	[sflag:s26] =	ssyncset.done $0x0  }
0x40: {  	s19 =	rddreg [dreg:$0xe];
	[sflag:s26] =	ssyncadd.s32 $0xFFFFCC00  }
0x41: {  	[spmem:s19] =	stream.linear.scatter [tilespmem:s24], [sflag:$0x7], $0x3400, $0x38;
	[tilespmem:$0x1EF80] =	vst v63  }
0x42: {  	_ =	swait.ge [sflag:s26], $0x3400  }
0x43: {  	[sflag:s26] =	ssyncset.done $0x0  }
0x44: {  	s23 =	rddreg [dreg:$0xf];
	[sflag:s26] =	ssyncadd.s32 $0xFFFFCC00  }
0x45: {  	[spmem:s23] =	stream.linear.scatter [tilespmem:s24], [sflag:$0x7], $0x3400, $0x38;
	[tilespmem:$0x1EF80] =	vst v63  }
0x46: {  	_ =	swait.ge [sflag:s26], $0x3400  }
0x47: {  	[sflag:s26] =	ssyncset.done $0x0  }
0x48: {  	s15 =	rddreg [dreg:$0x10];
	[sflag:s26] =	ssyncadd.s32 $0xFFFFCC00  }
0x49: {  	[spmem:s15] =	stream.linear.scatter [tilespmem:s24], [sflag:$0x7], $0x3400, $0x38;
	[tilespmem:$0x1EF80] =	vst v63  }
0x4a: {  	_ =	swait.ge [sflag:s26], $0x3400  }
0x4b: {  	[sflag:s26] =	ssyncset.done $0x0  }
0x4c: {  	[sflag:s26] =	ssyncadd.s32 $0xFFFFCC00  }
0x4d: {  	[spmem:s20] =	stream.linear.scatter [tilespmem:s24], [sflag:$0x7], $0x3400, $0x38;
	[tilespmem:$0x1EF80] =	vst v63  }
0x4e: {  	_ =	swait.ge [sflag:s26], $0x3400  }
0x4f: {  	[sflag:s26] =	ssyncset.done $0x0  }
0x50: {  	s14 =	simm.s32 @!p0 $0x8300;
	s15 =	rddreg [dreg:$0x5];
	[sflag:s26] =	ssyncadd.s32 $0xFFFFCC00  }
0x51: {  	[spmem:s15] =	stream.linear.scatter @!p0 [tilespmem:s14], [sflag:$0x7], $0x400, $0x38;
	[tilespmem:$0x1EF80] =	vst v63  }
0x52: {  	s14 =	simm.s32 @!p0 $0x7  }
0x53: {  	_ =	swait.ge @!p0 [sflag:s14], $0x400  }
0x54: {  	[sflag:s14] =	ssyncset.done @!p0 $0x0  }
0x55: {  	[sflag:s14] =	ssyncadd.s32 @!p0 $0xFFFFFC00  }
0x56: {  	[bflag:$0x0] =	sbarrier.arrive $0xFFFF  }
0x57: {  	s14 =	simm.s32 $0x0;
	s17 =	rddreg [dreg:$0x6]  }
0x58: {  	[tilespmem:s14], [sflag:$0x3] =	stream.linear.gather [hbm4b:s17+s14], $0x80, $0x38;
	[tilespmem:$0x1EF80] =	vst v63  }
0x59: {  	s18 =	rddreg [dreg:$0x7]  }
0x5a: {  	[tilespmem:s28], [sflag:$0x3] =	stream.linear.gather [hbm4b:s18+s14], $0x80, $0x38;
	[tilespmem:$0x1EF80] =	vst v63  }
0x5b: {  	s19 =	rddreg [dreg:$0x8];
	s17 =	simm.s32 $0x100  }
0x5c: {  	[tilespmem:s17], [sflag:$0x4] =	stream.linear.gather [hbm4b:s19+s14], $0x80, $0x38;
	[tilespmem:$0x1EF80] =	vst v63  }
0x5d: {  	s23 =	rddreg [dreg:$0x9]  }
0x5e: {  	[tilespmem:s30], [sflag:$0x4] =	stream.linear.gather [hbm4b:s23+s14], $0x80, $0x38;
	[tilespmem:$0x1EF80] =	vst v63  }
0x5f: {  	_ =	swait.ge [sflag:s31], $0x80  }
0x60: {  	[sflag:s31] =	ssyncset.done $0x0  }
.Ltmp3:
0x61: {  	[sflag:s31] =	ssyncadd.s32 $0xFFFFFF80;
	(pc) =	sbr.rel .LBB2_4-.Ltmp3, $4  }
0x62: {  	_ =	swait.ge [sflag:s31], $0x80  }
0x63: {  	[sflag:s31] =	ssyncset.done $0x0  }
0x64: {  	s15 =	stileid.u32;
	s23 =	smov.u32 s16;
	[sflag:s31] =	ssyncadd.s32 $0xFFFFFF80  }
0x65: {  	[tilespmem:s0], [sflag:$0x1] =	stream.indirect.gather [hbm4b:s1+s28], $0x80, s28, s28, $0xb8;
	[tilespmem:$0x1EF80] =	vst v63  }
.LBB2_8:
0x66: {  	s17 =	sshrl.u32 s23, $0x3  }
0x67: {  	s18 =	sadd.s32 s2, s17  }
0x68: {  	[tilespmem:s5], [sflag:$0x3] =	stream.linear.gather [hbm4b:s18+s5], $0x80, $0x38;
	[tilespmem:$0x1EF80] =	vst v63  }
0x69: {  	s17 =	sadd.s32 s6, s17  }
0x6a: {  	[tilespmem:s28], [sflag:$0x3] =	stream.linear.gather [hbm4b:s17+s5], $0x80, $0x38;
	[tilespmem:$0x1EF80] =	vst v63  }
0x6b: {  	_ =	swait.ge [sflag:s10], $0x4000  }
0x6c: {  	[sflag:s10] =	ssyncset.done $0x0  }
0x6d: {  	[sflag:s10] =	ssyncadd.s32 $0xFFFFC000  }
0x6e: {  	_ =	swait.ge [sflag:s31], $0x80  }
0x6f: {  	[sflag:s31] =	ssyncset.done $0x0  }
0x70: {  	[sflag:s31] =	ssyncadd.s32 $0xFFFFFF80  }
0x71: {  	_ =	swait.ge [sflag:s31], $0x80  }
0x72: {  	[sflag:s31] =	ssyncset.done $0x0  }
0x73: {  	[sflag:s31] =	ssyncadd.s32 $0xFFFFFF80  }
0x74: {  	[tilespmem:s0], [sflag:$0x1] =	stream.indirect.gather [hbm4b:s1+s28], $0x80, s28, s28, $0xb8;
	[tilespmem:$0x1EF80] =	vst v63  }
.LBB2_10:
0x75: {  	_ =	swait.ge [sflag:s11], $0x4000  }
0x76: {  	[sflag:s11] =	ssyncset.done $0x0  }
0x77: {  	[sflag:s11] =	ssyncadd.s32 $0xFFFFC000  }
0x78: {  	v1 =	vld [tilespmem:$0x100]  }
0x79: {  	v2 =	vld [tilespmem:$0x110]  }
0x7a: {  	v3 =	vld [tilespmem:$0x120]  }
0x7b: {  	v4 =	vld [tilespmem:$0x130]  }
0x7c: {  	v5 =	vld [tilespmem:$0x140]  }
0x7d: {  	[tilespmem:$0x280] =	vst v1;
	v1 =	vld [tilespmem:$0x150]  }
0x7e: {  	[tilespmem:$0x290] =	vst v2;
	v2 =	vld [tilespmem:$0x160]  }
0x7f: {  	[tilespmem:$0x2A0] =	vst v3;
	v3 =	vld [tilespmem:$0x170]  }
0x80: {  	[tilespmem:$0x2B0] =	vst v4  }
0x81: {  	[tilespmem:$0x2C0] =	vst v5  }
0x82: {  	[tilespmem:$0x2D0] =	vst v1  }
0x83: {  	[tilespmem:$0x2E0] =	vst v2  }
0x84: {  	p1 =	sgt.u32 s15, $0x993;
	[tilespmem:$0x2F0] =	vst v3  }
0x85: {  	[spmem:s3] =	stream.indirect.scatter.add.f32 [tilespmem:s29], [sflag:$0x6], $0x80, s12, s28, $0xb8;
	[tilespmem:$0x1EF80] =	vst v63  }
0x86: {  	s17 =	sadd.s32 @!p1 s14, s22;
	s18 =	simm.s32 @!p1 $0x0;
	s19 =	simm.s32 @!p1 $0x100  }
0x87: {  	[tilespmem:s19], [sflag:$0x4] =	stream.linear.gather @!p1 [hbm4b:s17+s18], $0x80, $0x38;
	[tilespmem:$0x1EF80] =	vst v63  }
0x88: {  	s17 =	sadd.s32 @!p1 s14, s21;
	s19 =	simm.s32 @!p1 $0x180  }
0x89: {  	[tilespmem:s19], [sflag:$0x4] =	stream.linear.gather @!p1 [hbm4b:s17+s18], $0x80, $0x38;
	[tilespmem:$0x1EF80] =	vst v63  }
.LBB2_11:
0x8a: {  	s14 =	sadd.s32 $0x200, s14  }
0x8b: {  	p1 =	sne.s32 s14, $0x9E00  }
.Ltmp4:
0x8c: {  	_ = 	snop;
	(pc) =	sbr.rel @!p1 .LBB2_12-.Ltmp4, $2  }
0x8d: {  	_ =	sdelay $0x2  }
0x8e: {  	s23 =	sadd.s32 $0x1000, s23;
	s15 =	sadd.s32 $0x20, s15  }
.LBB2_4:
0x8f: {  	s17 =	sadd.s32 $0xFFFFFFF0, s15;
	p1 =	sgt.u32 s15, $0x9B3  }
.Ltmp5:
0x90: {  	p2 =	sgt.u32 s17, $0x9C3;
	(pc) =	sbr.rel @p1 .LBB2_6-.Ltmp5, $4  }
0x91: {  	s17 =	simm.s32 @!p2 $0x6  }
0x92: {  	_ =	swait.ge @!p2 [sflag:s17], $0x4000  }
0x93: {  	[sflag:s17] =	ssyncset.done @!p2 $0x0  }
0x94: {  	[sflag:s17] =	ssyncadd.s32 @!p2 $0xFFFFC000  }
0x95: {  	_ =	swait.ge [sflag:s4], $0x80  }
0x96: {  	[sflag:s4] =	ssyncset.done $0x0  }
.Ltmp6:
0x97: {  	[sflag:s4] =	ssyncadd.s32 $0xFFFFFF80;
	(pc) =	sbr.rel .LBB2_7-.Ltmp6, $4  }
0x98: {  	_ =	swait.ge [sflag:s4], $0x80  }
0x99: {  	[sflag:s4] =	ssyncset.done $0x0  }
0x9a: {  	[sflag:s4] =	ssyncadd.s32 $0xFFFFFF80  }
0x9b: {  	[tilespmem:s29], [sflag:$0x2] =	stream.indirect.gather [hbm4b:s1+s28], $0x80, s30, s28, $0xb8;
	[tilespmem:$0x1EF80] =	vst v63  }
.LBB2_6:
0x9c: {  	p2 =	sgt.u32 s15, $0x9C3  }
.Ltmp7:
0x9d: {  	_ = 	snop;
	(pc) =	sbr.rel @p2 .LBB2_11-.Ltmp7, $1  }
0x9e: {  	_ =	sdelay $0x3  }
.LBB2_7:
0x9f: {  	_ =	swait.ge [sflag:s8], $0x4000  }
0xa0: {  	[sflag:s8] =	ssyncset.done $0x0  }
0xa1: {  	[sflag:s8] =	ssyncadd.s32 $0xFFFFC000  }
0xa2: {  	v1 =	vld [tilespmem:$0x0]  }
0xa3: {  	v2 =	vld [tilespmem:$0x10]  }
0xa4: {  	v3 =	vld [tilespmem:$0x20]  }
0xa5: {  	v4 =	vld [tilespmem:$0x30]  }
0xa6: {  	v5 =	vld [tilespmem:$0x40]  }
0xa7: {  	[tilespmem:$0x200] =	vst v1;
	v1 =	vld [tilespmem:$0x50]  }
0xa8: {  	[tilespmem:$0x210] =	vst v2;
	v2 =	vld [tilespmem:$0x60]  }
0xa9: {  	[tilespmem:$0x220] =	vst v3;
	v3 =	vld [tilespmem:$0x70]  }
0xaa: {  	p2 =	sgt.u32 s15, $0x9A3;
	[tilespmem:$0x230] =	vst v4  }
.Ltmp8:
0xab: {  	[tilespmem:$0x240] =	vst v5;
	(pc) =	sbr.rel @!p2 .LBB2_8-.Ltmp8, $4  }
0xac: {  	[tilespmem:$0x250] =	vst v1  }
0xad: {  	[tilespmem:$0x260] =	vst v2  }
0xae: {  	[tilespmem:$0x270] =	vst v3  }
0xaf: {  	[spmem:s3] =	stream.indirect.scatter.add.f32 [tilespmem:s0], [sflag:$0x5], $0x80, s9, s28, $0xb8;
	[tilespmem:$0x1EF80] =	vst v63  }
.Ltmp9:
0xb0: {  	(pc) =	sbr.rel @p1 .LBB2_11-.Ltmp9, $4  }
.Ltmp10:
0xb1: {  	(pc) =	sbr.rel @!p1 .LBB2_10-.Ltmp10, $4  }
0xb2: {  	_ =	swait.ge [sflag:s10], $0x4000  }
0xb3: {  	[sflag:s10] =	ssyncset.done $0x0  }
0xb4: {  	[sflag:s10] =	ssyncadd.s32 $0xFFFFC000  }
0xb5: {  	_ = 	snop  }
.LBB2_13:
0xb6: {  	_ =	sfence.sel $0x180000  }
0xb7: {  	[bflag:$0x0] =	sbarrier.arrive $0xFFFF  }
0xb8: {  	_ =	strace $0x90000047  }
0xb9: {  	s0 =	stileid.u32;
	[bflag:$0x2] =	sbarrier.arrive $0xFFFF  }
0xba: {  	p0 =	sne.s32 s0, $0x0;
	s0 =	rddreg [dreg:$0x4]  }
0xbb: {  	s0 =	sadd.s32 @!p0 $0x100000, s0  }
0xbc: {  	[sflag:s0] =	ssyncadd.tile.s32 @!p0 $0x1;
	_ =	shalt  }
.Lfunc_end2:
_tile_overlayer_lowered:
.L_overlay_start_2:
0xbd: {  	(tag) =	ssettag $0x2  }
0xbe: {  	s0 =	rddreg [dreg:$0x0];
	s2 =	stileid.u32  }
0xbf: {  	s1 =	rddreg [dreg:$0x1];
	p0 =	sne.s32 s2, $0x0  }
0xc0: {  	s3 =	rddreg [dreg:$0x2];
	[bflag:$0x3] =	sbarrier.arrive $0xFFFF;
	s2 =	simm.s32 @!p0 $0x1C07  }
0xc1: {  	[timem:s3], [sflag:s2] =	dma.local @!p0 [hbm:s0], s1  }
0xc2: {  	s0 =	simm.s32 @!p0 $0x7  }
0xc3: {  	_ =	swait.ge @!p0 [sflag:s0], s1  }
0xc4: {  	s1 =	ssub.s32 @!p0 $0x0, s1;
	[sflag:s0] =	ssyncset.done @!p0 $0x0  }
0xc5: {  	[sflag:s0] =	ssyncadd.s32 @!p0 s1  }
0xc6: {  	[bflag:$0x3] =	sbarrier.arrive $0xFFFF  }
0xc7: {  	_ =	shalt  }

</sc_bundles>
